<compile_context>
chip_gen: v7x
topology: tpu7x:2x2x1
jax: 0.10.2.dev20260603
libtpu: 0.0.44.dev20260713+nightly
codegen_flags: <defaults>
</compile_context>

<pallas_src>
import functools

import jax
import jax.numpy as jnp
from jax import lax
from jax.experimental import pallas as pl
from jax.experimental.pallas import tpu as pltpu
from jax.experimental.pallas import tpu_sc as plsc

_LANES = 16
_NW = 32
_BLK = 128
_LOSS_WEIGHT = 0.1
_UNROLL = 4


def _pick_chunk_blocks(per_w_blocks: int, max_blocks: int = 80) -> int:
    for cb in range(max_blocks, 0, -1):
        if per_w_blocks % cb == 0:
            return cb
    return 1


def _make_sc_partial(n_nodes: int, n_edges: int):
    assert n_edges % _BLK == 0
    nb = n_edges // _BLK
    base_blocks = nb // _NW
    n_extra = nb % _NW
    cb = _pick_chunk_blocks(base_blocks)
    chunk = cb * _BLK
    n_chunks = base_blocks // cb
    groups = chunk // _LANES
    assert groups % _UNROLL == 0
    mesh = plsc.VectorSubcoreMesh(core_axis_name="c", subcore_axis_name="s")

    @functools.partial(
        pl.kernel,
        mesh=mesh,
        compiler_params=pltpu.CompilerParams(needs_layout_passes=False),
        out_type=jax.ShapeDtypeStruct((_NW, _LANES), jnp.float32),
        scratch_types=[
            pltpu.VMEM((n_nodes,), jnp.float32),
            pltpu.VMEM((2, chunk), jnp.int32),
            pltpu.VMEM((2, chunk), jnp.int32),
            pltpu.VMEM((chunk,), jnp.float32),
            pltpu.VMEM((chunk,), jnp.float32),
            pltpu.VMEM((2, _BLK), jnp.int32),
            pltpu.VMEM((_BLK,), jnp.float32),
            pltpu.VMEM((_LANES,), jnp.float32),
            pltpu.SemaphoreType.DMA,
            pltpu.SemaphoreType.DMA,
            pltpu.SemaphoreType.DMA,
            pltpu.SemaphoreType.DMA,
        ],
    )
    def sc_partial(pred_hbm, ei_hbm, w_hbm, out_hbm,
                   pred_v, ei_v0, ei_v1, w_v0, w_v1, ei_tail, w_tail,
                   out_v, psem, sem0, sem1, semt):
        wid = lax.axis_index("s") * 2 + lax.axis_index("c")
        sems = (sem0, sem1)
        ei_v = (ei_v0, ei_v1)
        w_v = (w_v0, w_v1)

        start_blk = wid * base_blocks + jnp.minimum(wid, n_extra)
        has_extra = wid < n_extra
        base = start_blk * _BLK

        pred_cp = pltpu.async_copy(pred_hbm, pred_v, psem)

        def start(ci):
            b = ci % 2
            off = pl.multiple_of(base + ci * chunk, _BLK)
            return [
                pltpu.async_copy(ei_hbm.at[:, pl.ds(off, chunk)], ei_v[b], sems[b]),
                pltpu.async_copy(w_hbm.at[pl.ds(off, chunk)], w_v[b], sems[b]),
            ]

        inflight = start(0)
        tail_off = pl.multiple_of(
            jnp.minimum(base + n_chunks * chunk, n_edges - _BLK), _BLK)
        tail_cps = [
            pltpu.async_copy(ei_hbm.at[:, pl.ds(tail_off, _BLK)], ei_tail, semt),
            pltpu.async_copy(w_hbm.at[pl.ds(tail_off, _BLK)], w_tail, semt),
        ]
        pred_cp.wait()

        zero = jnp.zeros((_LANES,), jnp.float32)
        accs = (zero,) * _UNROLL

        def term(eref, wref, g):
            sl = pl.ds(g * _LANES, _LANES)
            return wref[sl] * jnp.abs(
                plsc.load_gather(pred_v, [eref[0, sl]])
                - plsc.load_gather(pred_v, [eref[1, sl]]))

        def compute_chunk(b, accs_in):
            def body(i, a):
                return tuple(
                    a[k] + term(ei_v[b], w_v[b], i + k) for k in range(_UNROLL))

            return plsc.parallel_loop(
                0, groups, step=_UNROLL, carry=accs_in)(body)

        for ci in range(n_chunks):
            b = ci % 2
            if ci + 1 < n_chunks:
                nxt = start(ci + 1)
            for cp in inflight:
                cp.wait()
            if ci + 1 < n_chunks:
                inflight = nxt
            accs = compute_chunk(b, accs)

        for cp in tail_cps:
            cp.wait()
        tail_sum = zero
        for g in range(_BLK // _LANES):
            tail_sum = tail_sum + term(ei_tail, w_tail, g)
        total = jnp.where(has_extra, tail_sum, zero)
        for a in accs:
            total = total + a

        out_v[...] = total
        pltpu.sync_copy(out_v, out_hbm.at[wid])

    return sc_partial


def kernel(predictions, edge_index, edge_weights):
    n_nodes = predictions.shape[0]
    n_edges = edge_weights.shape[0]
    ei = edge_index.astype(jnp.int32)
    partial = _make_sc_partial(n_nodes, n_edges)(
        predictions, ei, edge_weights)
    return jnp.sum(partial) * (_LOSS_WEIGHT / n_edges)

# --- scband reference (transcript-rebuilt; emitter-appended) ---
"""Pipeline reference for scband-phylogenetic-regularization-42030549959144 (READ-ONLY COPY).

The authoritative reference and input builder live on the scoring server;
editing this copy changes nothing except your own understanding.
"""

import jax, jax.numpy as jnp
import numpy as np

WEIGHT = 0.1
N_NODES = 50000
N_EDGES = 1600000


def setup_inputs(seed: int = 0) -> dict:
    key = jax.random.key(seed)
    k1, k2, k3 = jax.random.split(key, 3)
    predictions = jax.random.uniform(k1, (N_NODES,), dtype=jnp.float32)
    edge_index = jax.random.randint(k2, (2, N_EDGES), 0, N_NODES, dtype=jnp.int64)
    edge_weights = jax.random.uniform(k3, (N_EDGES,), dtype=jnp.float32)
    return {"predictions": predictions, "edge_index": edge_index, "edge_weights": edge_weights}


def reference(predictions, edge_index, edge_weights):
    # edge_index.size(1) == 0 branch: static shapes here, E > 0 always
    source = edge_index[0]
    target = edge_index[1]
    pred_source = jnp.take(predictions, source, axis=0)
    pred_target = jnp.take(predictions, target, axis=0)
    diff = jnp.abs(pred_source - pred_target)
    weighted_diff = edge_weights * diff
    loss = jnp.mean(weighted_diff) * WEIGHT
    return loss

if __name__ == "__main__":
    import jax
    _d = setup_inputs()
    print(jax.jit(kernel)(*tuple(_d.values())))

</pallas_src>

<mosaic_0001>
#map = affine_map<(d0, d1) -> (0)>
#map1 = affine_map<(d0, d1) -> (0, 0)>
module attributes {stable_mosaic.version = 14 : i64} {
  func.func @sc_partial(%arg0: i32, %arg1: i32, %arg2: memref<50000xf32, #tpu.memory_space<hbm>>, %arg3: memref<2x1600000xi32, #tpu.memory_space<hbm>>, %arg4: memref<1600000xf32, #tpu.memory_space<hbm>>, %arg5: memref<32x16xf32, #tpu.memory_space<hbm>>, %arg6: memref<50000xf32, #tpu.memory_space<vmem>>, %arg7: memref<2x9984xi32, #tpu.memory_space<vmem>>, %arg8: memref<2x9984xi32, #tpu.memory_space<vmem>>, %arg9: memref<9984xf32, #tpu.memory_space<vmem>>, %arg10: memref<9984xf32, #tpu.memory_space<vmem>>, %arg11: memref<2x128xi32, #tpu.memory_space<vmem>>, %arg12: memref<128xf32, #tpu.memory_space<vmem>>, %arg13: memref<16xf32, #tpu.memory_space<vmem>>, %arg14: memref<!tpu.dma_semaphore, #tpu.memory_space<semaphore_mem>>, %arg15: memref<!tpu.dma_semaphore, #tpu.memory_space<semaphore_mem>>, %arg16: memref<!tpu.dma_semaphore, #tpu.memory_space<semaphore_mem>>, %arg17: memref<!tpu.dma_semaphore, #tpu.memory_space<semaphore_mem>>) attributes {dimension_semantics = [#tpu.dimension_semantics<core_parallel>, #tpu.dimension_semantics<subcore_parallel>], iteration_bounds = array<i64: 2, 16>, scalar_prefetch = 0 : i64, scratch_operands = 12 : i64, tpu.core_type = #tpu.core_type<sc_vector_subcore>, window_params = [{transform_indices = #map}, {transform_indices = #map1}, {transform_indices = #map}, {transform_indices = #map1}]} {
    %mul3A = arith.constant 2 : i32
    %mul3A_0 = arith.muli %arg1, %mul3A : i32
    %add3A = arith.addi %mul3A_0, %arg0 : i32
    %mul3A_1 = arith.constant 390 : i32
    %mul3A_2 = arith.muli %add3A, %mul3A_1 : i32
    %min3A = arith.constant 20 : i32
    %min3A_3 = arith.minsi %add3A, %min3A : i32
    %add3A_4 = arith.addi %mul3A_2, %min3A_3 : i32
    %lt3A = arith.constant 20 : i32
    %lt3A_5 = arith.cmpi slt, %add3A, %lt3A : i32
    %mul3A_6 = arith.constant 128 : i32
    %mul3A_7 = arith.muli %add3A_4, %mul3A_6 : i32
    tpu.enqueue_dma source(%arg2 : memref<50000xf32, #tpu.memory_space<hbm>>) target(%arg6 : memref<50000xf32, #tpu.memory_space<vmem>>) target_semaphore(%arg14 : memref<!tpu.dma_semaphore, #tpu.memory_space<semaphore_mem>>)
    %add3A_8 = arith.constant 0 : i32
    %add3A_9 = arith.addi %mul3A_7, %add3A_8 : i32
    %multiple_of3A = tpu.assume_multiple %add3A_9, 128 : i32
    %dma_start3A = arith.constant 0 : i32
    %dma_start3A_10 = tpu.memref_slice %arg3[%dma_start3A, %multiple_of3A] : memref<2x1600000xi32, #tpu.memory_space<hbm>> -> memref<2x9984xi32, #tpu.memory_space<hbm>>
    %dma_start3A_11 = arith.constant 0 : i32
    %dma_start3A_12 = tpu.memref_slice %arg3[%dma_start3A_11, %multiple_of3A] : memref<2x1600000xi32, #tpu.memory_space<hbm>> -> memref<2x9984xi32, #tpu.memory_space<hbm>>
    tpu.enqueue_dma source(%dma_start3A_12 : memref<2x9984xi32, #tpu.memory_space<hbm>>) target(%arg7 : memref<2x9984xi32, #tpu.memory_space<vmem>>) target_semaphore(%arg15 : memref<!tpu.dma_semaphore, #tpu.memory_space<semaphore_mem>>)
    %dma_start3A_13 = tpu.memref_slice %arg4[%multiple_of3A] : memref<1600000xf32, #tpu.memory_space<hbm>> -> memref<9984xf32, #tpu.memory_space<hbm>>
    %dma_start3A_14 = tpu.memref_slice %arg4[%multiple_of3A] : memref<1600000xf32, #tpu.memory_space<hbm>> -> memref<9984xf32, #tpu.memory_space<hbm>>
    tpu.enqueue_dma source(%dma_start3A_14 : memref<9984xf32, #tpu.memory_space<hbm>>) target(%arg9 : memref<9984xf32, #tpu.memory_space<vmem>>) target_semaphore(%arg15 : memref<!tpu.dma_semaphore, #tpu.memory_space<semaphore_mem>>)
    %add3A_15 = arith.constant 49920 : i32
    %add3A_16 = arith.addi %mul3A_7, %add3A_15 : i32
    %min3A_17 = arith.constant 1599872 : i32
    %min3A_18 = arith.minsi %add3A_16, %min3A_17 : i32
    %multiple_of3A_19 = tpu.assume_multiple %min3A_18, 128 : i32
    %dma_start3A_20 = arith.constant 0 : i32
    %dma_start3A_21 = tpu.memref_slice %arg3[%dma_start3A_20, %multiple_of3A_19] : memref<2x1600000xi32, #tpu.memory_space<hbm>> -> memref<2x128xi32, #tpu.memory_space<hbm>>
    %dma_start3A_22 = arith.constant 0 : i32
    %dma_start3A_23 = tpu.memref_slice %arg3[%dma_start3A_22, %multiple_of3A_19] : memref<2x1600000xi32, #tpu.memory_space<hbm>> -> memref<2x128xi32, #tpu.memory_space<hbm>>
    tpu.enqueue_dma source(%dma_start3A_23 : memref<2x128xi32, #tpu.memory_space<hbm>>) target(%arg11 : memref<2x128xi32, #tpu.memory_space<vmem>>) target_semaphore(%arg17 : memref<!tpu.dma_semaphore, #tpu.memory_space<semaphore_mem>>)
    %dma_start3A_24 = tpu.memref_slice %arg4[%multiple_of3A_19] : memref<1600000xf32, #tpu.memory_space<hbm>> -> memref<128xf32, #tpu.memory_space<hbm>>
    %dma_start3A_25 = tpu.memref_slice %arg4[%multiple_of3A_19] : memref<1600000xf32, #tpu.memory_space<hbm>> -> memref<128xf32, #tpu.memory_space<hbm>>
    tpu.enqueue_dma source(%dma_start3A_25 : memref<128xf32, #tpu.memory_space<hbm>>) target(%arg12 : memref<128xf32, #tpu.memory_space<vmem>>) target_semaphore(%arg17 : memref<!tpu.dma_semaphore, #tpu.memory_space<semaphore_mem>>)
    tpu.wait_dma2 semaphore(%arg14 : memref<!tpu.dma_semaphore, #tpu.memory_space<semaphore_mem>>) src(%arg2 : memref<50000xf32, #tpu.memory_space<hbm>>) dst(%arg6 : memref<50000xf32, #tpu.memory_space<vmem>>)
    %broadcast_in_dim3A = arith.constant 0.000000e+00 : f32
    %broadcast_in_dim3A_26 = vector.broadcast %broadcast_in_dim3A : f32 to vector<16xf32>
    %add3A_27 = arith.constant 9984 : i32
    %add3A_28 = arith.addi %mul3A_7, %add3A_27 : i32
    %multiple_of3A_29 = tpu.assume_multiple %add3A_28, 128 : i32
    %dma_start3A_30 = arith.constant 0 : i32
    %dma_start3A_31 = tpu.memref_slice %arg3[%dma_start3A_30, %multiple_of3A_29] : memref<2x1600000xi32, #tpu.memory_space<hbm>> -> memref<2x9984xi32, #tpu.memory_space<hbm>>
    %dma_start3A_32 = arith.constant 0 : i32
    %dma_start3A_33 = tpu.memref_slice %arg3[%dma_start3A_32, %multiple_of3A_29] : memref<2x1600000xi32, #tpu.memory_space<hbm>> -> memref<2x9984xi32, #tpu.memory_space<hbm>>
    tpu.enqueue_dma source(%dma_start3A_33 : memref<2x9984xi32, #tpu.memory_space<hbm>>) target(%arg8 : memref<2x9984xi32, #tpu.memory_space<vmem>>) target_semaphore(%arg16 : memref<!tpu.dma_semaphore, #tpu.memory_space<semaphore_mem>>)
    %dma_start3A_34 = tpu.memref_slice %arg4[%multiple_of3A_29] : memref<1600000xf32, #tpu.memory_space<hbm>> -> memref<9984xf32, #tpu.memory_space<hbm>>
    %dma_start3A_35 = tpu.memref_slice %arg4[%multiple_of3A_29] : memref<1600000xf32, #tpu.memory_space<hbm>> -> memref<9984xf32, #tpu.memory_space<hbm>>
    tpu.enqueue_dma source(%dma_start3A_35 : memref<9984xf32, #tpu.memory_space<hbm>>) target(%arg10 : memref<9984xf32, #tpu.memory_space<vmem>>) target_semaphore(%arg16 : memref<!tpu.dma_semaphore, #tpu.memory_space<semaphore_mem>>)
    %dma_wait3A = arith.constant 0 : i32
    %dma_wait3A_36 = tpu.memref_slice %arg3[%dma_wait3A, %multiple_of3A] : memref<2x1600000xi32, #tpu.memory_space<hbm>> -> memref<2x9984xi32, #tpu.memory_space<hbm>>
    %dma_wait3A_37 = arith.constant 0 : i32
    %dma_wait3A_38 = tpu.memref_slice %arg3[%dma_wait3A_37, %multiple_of3A] : memref<2x1600000xi32, #tpu.memory_space<hbm>> -> memref<2x9984xi32, #tpu.memory_space<hbm>>
    tpu.wait_dma2 semaphore(%arg15 : memref<!tpu.dma_semaphore, #tpu.memory_space<semaphore_mem>>) src(%dma_wait3A_38 : memref<2x9984xi32, #tpu.memory_space<hbm>>) dst(%arg7 : memref<2x9984xi32, #tpu.memory_space<vmem>>)
    %dma_wait3A_39 = tpu.memref_slice %arg4[%multiple_of3A] : memref<1600000xf32, #tpu.memory_space<hbm>> -> memref<9984xf32, #tpu.memory_space<hbm>>
    %dma_wait3A_40 = tpu.memref_slice %arg4[%multiple_of3A] : memref<1600000xf32, #tpu.memory_space<hbm>> -> memref<9984xf32, #tpu.memory_space<hbm>>
    tpu.wait_dma2 semaphore(%arg15 : memref<!tpu.dma_semaphore, #tpu.memory_space<semaphore_mem>>) src(%dma_wait3A_40 : memref<9984xf32, #tpu.memory_space<hbm>>) dst(%arg9 : memref<9984xf32, #tpu.memory_space<vmem>>)
    %parallel_loop3A = arith.constant 0 : i32
    %parallel_loop3A_41 = arith.constant 624 : i32
    %parallel_loop3A_42 = arith.constant 4 : i32
    %parallel_loop3A_43:4 = scf.for %parallel_loop3A_246 = %parallel_loop3A to %parallel_loop3A_41 step %parallel_loop3A_42 iter_args(%parallel_loop3A_247 = %broadcast_in_dim3A_26, %parallel_loop3A_248 = %broadcast_in_dim3A_26, %parallel_loop3A_249 = %broadcast_in_dim3A_26, %parallel_loop3A_250 = %broadcast_in_dim3A_26) -> (vector<16xf32>, vector<16xf32>, vector<16xf32>, vector<16xf32>)  : i32 {
      %parallel_loop3A_251 = arith.constant 0 : i32
      %parallel_loop3A_252 = arith.addi %parallel_loop3A_246, %parallel_loop3A_251 : i32
      %parallel_loop3A_253 = arith.constant 16 : i32
      %parallel_loop3A_254 = arith.muli %parallel_loop3A_252, %parallel_loop3A_253 : i32
      %parallel_loop3A_255 = arith.index_cast %parallel_loop3A_254 : i32 to index
      %parallel_loop3A_256 = tpu.vector_load %arg9[%parallel_loop3A_255] {strides = array<i32>} : memref<9984xf32, #tpu.memory_space<vmem>>, vector<16xf32>,
      %parallel_loop3A_257 = arith.constant 0 : i32
      %parallel_loop3A_258 = arith.index_cast %parallel_loop3A_257 : i32 to index
      %parallel_loop3A_259 = arith.index_cast %parallel_loop3A_254 : i32 to index
      %parallel_loop3A_260 = tpu.vector_load %arg7[%parallel_loop3A_258, %parallel_loop3A_259] {strides = array<i32>} : memref<2x9984xi32, #tpu.memory_space<vmem>>, vector<16xi32>,
      %parallel_loop3A_261 = tpu.vector_load_idx %arg6[%parallel_loop3A_260] : memref<50000xf32, #tpu.memory_space<vmem>>[vector<16xi32>], vector<16xf32>,
      %parallel_loop3A_262 = arith.constant 1 : i32
      %parallel_loop3A_263 = arith.index_cast %parallel_loop3A_262 : i32 to index
      %parallel_loop3A_264 = arith.index_cast %parallel_loop3A_254 : i32 to index
      %parallel_loop3A_265 = tpu.vector_load %arg7[%parallel_loop3A_263, %parallel_loop3A_264] {strides = array<i32>} : memref<2x9984xi32, #tpu.memory_space<vmem>>, vector<16xi32>,
      %parallel_loop3A_266 = tpu.vector_load_idx %arg6[%parallel_loop3A_265] : memref<50000xf32, #tpu.memory_space<vmem>>[vector<16xi32>], vector<16xf32>,
      %parallel_loop3A_267 = arith.subf %parallel_loop3A_261, %parallel_loop3A_266 : vector<16xf32>
      %parallel_loop3A_268 = math.absf %parallel_loop3A_267 : vector<16xf32>
      %parallel_loop3A_269 = arith.mulf %parallel_loop3A_256, %parallel_loop3A_268 : vector<16xf32>
      %parallel_loop3A_270 = arith.addf %parallel_loop3A_247, %parallel_loop3A_269 : vector<16xf32>
      %parallel_loop3A_271 = arith.constant 1 : i32
      %parallel_loop3A_272 = arith.addi %parallel_loop3A_246, %parallel_loop3A_271 : i32
      %parallel_loop3A_273 = arith.constant 16 : i32
      %parallel_loop3A_274 = arith.muli %parallel_loop3A_272, %parallel_loop3A_273 : i32
      %parallel_loop3A_275 = arith.index_cast %parallel_loop3A_274 : i32 to index
      %parallel_loop3A_276 = tpu.vector_load %arg9[%parallel_loop3A_275] {strides = array<i32>} : memref<9984xf32, #tpu.memory_space<vmem>>, vector<16xf32>,
      %parallel_loop3A_277 = arith.constant 0 : i32
      %parallel_loop3A_278 = arith.index_cast %parallel_loop3A_277 : i32 to index
      %parallel_loop3A_279 = arith.index_cast %parallel_loop3A_274 : i32 to index
      %parallel_loop3A_280 = tpu.vector_load %arg7[%parallel_loop3A_278, %parallel_loop3A_279] {strides = array<i32>} : memref<2x9984xi32, #tpu.memory_space<vmem>>, vector<16xi32>,
      %parallel_loop3A_281 = tpu.vector_load_idx %arg6[%parallel_loop3A_280] : memref<50000xf32, #tpu.memory_space<vmem>>[vector<16xi32>], vector<16xf32>,
      %parallel_loop3A_282 = arith.constant 1 : i32
      %parallel_loop3A_283 = arith.index_cast %parallel_loop3A_282 : i32 to index
      %parallel_loop3A_284 = arith.index_cast %parallel_loop3A_274 : i32 to index
      %parallel_loop3A_285 = tpu.vector_load %arg7[%parallel_loop3A_283, %parallel_loop3A_284] {strides = array<i32>} : memref<2x9984xi32, #tpu.memory_space<vmem>>, vector<16xi32>,
      %parallel_loop3A_286 = tpu.vector_load_idx %arg6[%parallel_loop3A_285] : memref<50000xf32, #tpu.memory_space<vmem>>[vector<16xi32>], vector<16xf32>,
      %parallel_loop3A_287 = arith.subf %parallel_loop3A_281, %parallel_loop3A_286 : vector<16xf32>
      %parallel_loop3A_288 = math.absf %parallel_loop3A_287 : vector<16xf32>
      %parallel_loop3A_289 = arith.mulf %parallel_loop3A_276, %parallel_loop3A_288 : vector<16xf32>
      %parallel_loop3A_290 = arith.addf %parallel_loop3A_248, %parallel_loop3A_289 : vector<16xf32>
      %parallel_loop3A_291 = arith.constant 2 : i32
      %parallel_loop3A_292 = arith.addi %parallel_loop3A_246, %parallel_loop3A_291 : i32
      %parallel_loop3A_293 = arith.constant 16 : i32
      %parallel_loop3A_294 = arith.muli %parallel_loop3A_292, %parallel_loop3A_293 : i32
      %parallel_loop3A_295 = arith.index_cast %parallel_loop3A_294 : i32 to index
      %parallel_loop3A_296 = tpu.vector_load %arg9[%parallel_loop3A_295] {strides = array<i32>} : memref<9984xf32, #tpu.memory_space<vmem>>, vector<16xf32>,
      %parallel_loop3A_297 = arith.constant 0 : i32
      %parallel_loop3A_298 = arith.index_cast %parallel_loop3A_297 : i32 to index
      %parallel_loop3A_299 = arith.index_cast %parallel_loop3A_294 : i32 to index
      %parallel_loop3A_300 = tpu.vector_load %arg7[%parallel_loop3A_298, %parallel_loop3A_299] {strides = array<i32>} : memref<2x9984xi32, #tpu.memory_space<vmem>>, vector<16xi32>,
      %parallel_loop3A_301 = tpu.vector_load_idx %arg6[%parallel_loop3A_300] : memref<50000xf32, #tpu.memory_space<vmem>>[vector<16xi32>], vector<16xf32>,
      %parallel_loop3A_302 = arith.constant 1 : i32
      %parallel_loop3A_303 = arith.index_cast %parallel_loop3A_302 : i32 to index
      %parallel_loop3A_304 = arith.index_cast %parallel_loop3A_294 : i32 to index
      %parallel_loop3A_305 = tpu.vector_load %arg7[%parallel_loop3A_303, %parallel_loop3A_304] {strides = array<i32>} : memref<2x9984xi32, #tpu.memory_space<vmem>>, vector<16xi32>,
      %parallel_loop3A_306 = tpu.vector_load_idx %arg6[%parallel_loop3A_305] : memref<50000xf32, #tpu.memory_space<vmem>>[vector<16xi32>], vector<16xf32>,
      %parallel_loop3A_307 = arith.subf %parallel_loop3A_301, %parallel_loop3A_306 : vector<16xf32>
      %parallel_loop3A_308 = math.absf %parallel_loop3A_307 : vector<16xf32>
      %parallel_loop3A_309 = arith.mulf %parallel_loop3A_296, %parallel_loop3A_308 : vector<16xf32>
      %parallel_loop3A_310 = arith.addf %parallel_loop3A_249, %parallel_loop3A_309 : vector<16xf32>
      %parallel_loop3A_311 = arith.constant 3 : i32
      %parallel_loop3A_312 = arith.addi %parallel_loop3A_246, %parallel_loop3A_311 : i32
      %parallel_loop3A_313 = arith.constant 16 : i32
      %parallel_loop3A_314 = arith.muli %parallel_loop3A_312, %parallel_loop3A_313 : i32
      %parallel_loop3A_315 = arith.index_cast %parallel_loop3A_314 : i32 to index
      %parallel_loop3A_316 = tpu.vector_load %arg9[%parallel_loop3A_315] {strides = array<i32>} : memref<9984xf32, #tpu.memory_space<vmem>>, vector<16xf32>,
      %parallel_loop3A_317 = arith.constant 0 : i32
      %parallel_loop3A_318 = arith.index_cast %parallel_loop3A_317 : i32 to index
      %parallel_loop3A_319 = arith.index_cast %parallel_loop3A_314 : i32 to index
      %parallel_loop3A_320 = tpu.vector_load %arg7[%parallel_loop3A_318, %parallel_loop3A_319] {strides = array<i32>} : memref<2x9984xi32, #tpu.memory_space<vmem>>, vector<16xi32>,
      %parallel_loop3A_321 = tpu.vector_load_idx %arg6[%parallel_loop3A_320] : memref<50000xf32, #tpu.memory_space<vmem>>[vector<16xi32>], vector<16xf32>,
      %parallel_loop3A_322 = arith.constant 1 : i32
      %parallel_loop3A_323 = arith.index_cast %parallel_loop3A_322 : i32 to index
      %parallel_loop3A_324 = arith.index_cast %parallel_loop3A_314 : i32 to index
      %parallel_loop3A_325 = tpu.vector_load %arg7[%parallel_loop3A_323, %parallel_loop3A_324] {strides = array<i32>} : memref<2x9984xi32, #tpu.memory_space<vmem>>, vector<16xi32>,
      %parallel_loop3A_326 = tpu.vector_load_idx %arg6[%parallel_loop3A_325] : memref<50000xf32, #tpu.memory_space<vmem>>[vector<16xi32>], vector<16xf32>,
      %parallel_loop3A_327 = arith.subf %parallel_loop3A_321, %parallel_loop3A_326 : vector<16xf32>
      %parallel_loop3A_328 = math.absf %parallel_loop3A_327 : vector<16xf32>
      %parallel_loop3A_329 = arith.mulf %parallel_loop3A_316, %parallel_loop3A_328 : vector<16xf32>
      %parallel_loop3A_330 = arith.addf %parallel_loop3A_250, %parallel_loop3A_329 : vector<16xf32>
      scf.yield %parallel_loop3A_270, %parallel_loop3A_290, %parallel_loop3A_310, %parallel_loop3A_330 : vector<16xf32>, vector<16xf32>, vector<16xf32>, vector<16xf32>
    } {sc.loop_unroll_factor = 1 : i64, sc.parallel_access}
    %add3A_44 = arith.constant 19968 : i32
    %add3A_45 = arith.addi %mul3A_7, %add3A_44 : i32
    %multiple_of3A_46 = tpu.assume_multiple %add3A_45, 128 : i32
    %dma_start3A_47 = arith.constant 0 : i32
    %dma_start3A_48 = tpu.memref_slice %arg3[%dma_start3A_47, %multiple_of3A_46] : memref<2x1600000xi32, #tpu.memory_space<hbm>> -> memref<2x9984xi32, #tpu.memory_space<hbm>>
    %dma_start3A_49 = arith.constant 0 : i32
    %dma_start3A_50 = tpu.memref_slice %arg3[%dma_start3A_49, %multiple_of3A_46] : memref<2x1600000xi32, #tpu.memory_space<hbm>> -> memref<2x9984xi32, #tpu.memory_space<hbm>>
    tpu.enqueue_dma source(%dma_start3A_50 : memref<2x9984xi32, #tpu.memory_space<hbm>>) target(%arg7 : memref<2x9984xi32, #tpu.memory_space<vmem>>) target_semaphore(%arg15 : memref<!tpu.dma_semaphore, #tpu.memory_space<semaphore_mem>>)
    %dma_start3A_51 = tpu.memref_slice %arg4[%multiple_of3A_46] : memref<1600000xf32, #tpu.memory_space<hbm>> -> memref<9984xf32, #tpu.memory_space<hbm>>
    %dma_start3A_52 = tpu.memref_slice %arg4[%multiple_of3A_46] : memref<1600000xf32, #tpu.memory_space<hbm>> -> memref<9984xf32, #tpu.memory_space<hbm>>
    tpu.enqueue_dma source(%dma_start3A_52 : memref<9984xf32, #tpu.memory_space<hbm>>) target(%arg9 : memref<9984xf32, #tpu.memory_space<vmem>>) target_semaphore(%arg15 : memref<!tpu.dma_semaphore, #tpu.memory_space<semaphore_mem>>)
    %dma_wait3A_53 = arith.constant 0 : i32
    %dma_wait3A_54 = tpu.memref_slice %arg3[%dma_wait3A_53, %multiple_of3A_29] : memref<2x1600000xi32, #tpu.memory_space<hbm>> -> memref<2x9984xi32, #tpu.memory_space<hbm>>
    %dma_wait3A_55 = arith.constant 0 : i32
    %dma_wait3A_56 = tpu.memref_slice %arg3[%dma_wait3A_55, %multiple_of3A_29] : memref<2x1600000xi32, #tpu.memory_space<hbm>> -> memref<2x9984xi32, #tpu.memory_space<hbm>>
    tpu.wait_dma2 semaphore(%arg16 : memref<!tpu.dma_semaphore, #tpu.memory_space<semaphore_mem>>) src(%dma_wait3A_56 : memref<2x9984xi32, #tpu.memory_space<hbm>>) dst(%arg8 : memref<2x9984xi32, #tpu.memory_space<vmem>>)
    %dma_wait3A_57 = tpu.memref_slice %arg4[%multiple_of3A_29] : memref<1600000xf32, #tpu.memory_space<hbm>> -> memref<9984xf32, #tpu.memory_space<hbm>>
    %dma_wait3A_58 = tpu.memref_slice %arg4[%multiple_of3A_29] : memref<1600000xf32, #tpu.memory_space<hbm>> -> memref<9984xf32, #tpu.memory_space<hbm>>
    tpu.wait_dma2 semaphore(%arg16 : memref<!tpu.dma_semaphore, #tpu.memory_space<semaphore_mem>>) src(%dma_wait3A_58 : memref<9984xf32, #tpu.memory_space<hbm>>) dst(%arg10 : memref<9984xf32, #tpu.memory_space<vmem>>)
    %parallel_loop3A_59 = arith.constant 0 : i32
    %parallel_loop3A_60 = arith.constant 624 : i32
    %parallel_loop3A_61 = arith.constant 4 : i32
    %parallel_loop3A_62:4 = scf.for %parallel_loop3A_246 = %parallel_loop3A_59 to %parallel_loop3A_60 step %parallel_loop3A_61 iter_args(%parallel_loop3A_247 = %parallel_loop3A_43#0, %parallel_loop3A_248 = %parallel_loop3A_43#1, %parallel_loop3A_249 = %parallel_loop3A_43#2, %parallel_loop3A_250 = %parallel_loop3A_43#3) -> (vector<16xf32>, vector<16xf32>, vector<16xf32>, vector<16xf32>)  : i32 {
      %parallel_loop3A_251 = arith.constant 0 : i32
      %parallel_loop3A_252 = arith.addi %parallel_loop3A_246, %parallel_loop3A_251 : i32
      %parallel_loop3A_253 = arith.constant 16 : i32
      %parallel_loop3A_254 = arith.muli %parallel_loop3A_252, %parallel_loop3A_253 : i32
      %parallel_loop3A_255 = arith.index_cast %parallel_loop3A_254 : i32 to index
      %parallel_loop3A_256 = tpu.vector_load %arg10[%parallel_loop3A_255] {strides = array<i32>} : memref<9984xf32, #tpu.memory_space<vmem>>, vector<16xf32>,
      %parallel_loop3A_257 = arith.constant 0 : i32
      %parallel_loop3A_258 = arith.index_cast %parallel_loop3A_257 : i32 to index
      %parallel_loop3A_259 = arith.index_cast %parallel_loop3A_254 : i32 to index
      %parallel_loop3A_260 = tpu.vector_load %arg8[%parallel_loop3A_258, %parallel_loop3A_259] {strides = array<i32>} : memref<2x9984xi32, #tpu.memory_space<vmem>>, vector<16xi32>,
      %parallel_loop3A_261 = tpu.vector_load_idx %arg6[%parallel_loop3A_260] : memref<50000xf32, #tpu.memory_space<vmem>>[vector<16xi32>], vector<16xf32>,
      %parallel_loop3A_262 = arith.constant 1 : i32
      %parallel_loop3A_263 = arith.index_cast %parallel_loop3A_262 : i32 to index
      %parallel_loop3A_264 = arith.index_cast %parallel_loop3A_254 : i32 to index
      %parallel_loop3A_265 = tpu.vector_load %arg8[%parallel_loop3A_263, %parallel_loop3A_264] {strides = array<i32>} : memref<2x9984xi32, #tpu.memory_space<vmem>>, vector<16xi32>,
      %parallel_loop3A_266 = tpu.vector_load_idx %arg6[%parallel_loop3A_265] : memref<50000xf32, #tpu.memory_space<vmem>>[vector<16xi32>], vector<16xf32>,
      %parallel_loop3A_267 = arith.subf %parallel_loop3A_261, %parallel_loop3A_266 : vector<16xf32>
      %parallel_loop3A_268 = math.absf %parallel_loop3A_267 : vector<16xf32>
      %parallel_loop3A_269 = arith.mulf %parallel_loop3A_256, %parallel_loop3A_268 : vector<16xf32>
      %parallel_loop3A_270 = arith.addf %parallel_loop3A_247, %parallel_loop3A_269 : vector<16xf32>
      %parallel_loop3A_271 = arith.constant 1 : i32
      %parallel_loop3A_272 = arith.addi %parallel_loop3A_246, %parallel_loop3A_271 : i32
      %parallel_loop3A_273 = arith.constant 16 : i32
      %parallel_loop3A_274 = arith.muli %parallel_loop3A_272, %parallel_loop3A_273 : i32
      %parallel_loop3A_275 = arith.index_cast %parallel_loop3A_274 : i32 to index
      %parallel_loop3A_276 = tpu.vector_load %arg10[%parallel_loop3A_275] {strides = array<i32>} : memref<9984xf32, #tpu.memory_space<vmem>>, vector<16xf32>,
      %parallel_loop3A_277 = arith.constant 0 : i32
      %parallel_loop3A_278 = arith.index_cast %parallel_loop3A_277 : i32 to index
      %parallel_loop3A_279 = arith.index_cast %parallel_loop3A_274 : i32 to index
      %parallel_loop3A_280 = tpu.vector_load %arg8[%parallel_loop3A_278, %parallel_loop3A_279] {strides = array<i32>} : memref<2x9984xi32, #tpu.memory_space<vmem>>, vector<16xi32>,
      %parallel_loop3A_281 = tpu.vector_load_idx %arg6[%parallel_loop3A_280] : memref<50000xf32, #tpu.memory_space<vmem>>[vector<16xi32>], vector<16xf32>,
      %parallel_loop3A_282 = arith.constant 1 : i32
      %parallel_loop3A_283 = arith.index_cast %parallel_loop3A_282 : i32 to index
      %parallel_loop3A_284 = arith.index_cast %parallel_loop3A_274 : i32 to index
      %parallel_loop3A_285 = tpu.vector_load %arg8[%parallel_loop3A_283, %parallel_loop3A_284] {strides = array<i32>} : memref<2x9984xi32, #tpu.memory_space<vmem>>, vector<16xi32>,
      %parallel_loop3A_286 = tpu.vector_load_idx %arg6[%parallel_loop3A_285] : memref<50000xf32, #tpu.memory_space<vmem>>[vector<16xi32>], vector<16xf32>,
      %parallel_loop3A_287 = arith.subf %parallel_loop3A_281, %parallel_loop3A_286 : vector<16xf32>
      %parallel_loop3A_288 = math.absf %parallel_loop3A_287 : vector<16xf32>
      %parallel_loop3A_289 = arith.mulf %parallel_loop3A_276, %parallel_loop3A_288 : vector<16xf32>
      %parallel_loop3A_290 = arith.addf %parallel_loop3A_248, %parallel_loop3A_289 : vector<16xf32>
      %parallel_loop3A_291 = arith.constant 2 : i32
      %parallel_loop3A_292 = arith.addi %parallel_loop3A_246, %parallel_loop3A_291 : i32
      %parallel_loop3A_293 = arith.constant 16 : i32
      %parallel_loop3A_294 = arith.muli %parallel_loop3A_292, %parallel_loop3A_293 : i32
      %parallel_loop3A_295 = arith.index_cast %parallel_loop3A_294 : i32 to index
      %parallel_loop3A_296 = tpu.vector_load %arg10[%parallel_loop3A_295] {strides = array<i32>} : memref<9984xf32, #tpu.memory_space<vmem>>, vector<16xf32>,
      %parallel_loop3A_297 = arith.constant 0 : i32
      %parallel_loop3A_298 = arith.index_cast %parallel_loop3A_297 : i32 to index
      %parallel_loop3A_299 = arith.index_cast %parallel_loop3A_294 : i32 to index
      %parallel_loop3A_300 = tpu.vector_load %arg8[%parallel_loop3A_298, %parallel_loop3A_299] {strides = array<i32>} : memref<2x9984xi32, #tpu.memory_space<vmem>>, vector<16xi32>,
      %parallel_loop3A_301 = tpu.vector_load_idx %arg6[%parallel_loop3A_300] : memref<50000xf32, #tpu.memory_space<vmem>>[vector<16xi32>], vector<16xf32>,
      %parallel_loop3A_302 = arith.constant 1 : i32
      %parallel_loop3A_303 = arith.index_cast %parallel_loop3A_302 : i32 to index
      %parallel_loop3A_304 = arith.index_cast %parallel_loop3A_294 : i32 to index
      %parallel_loop3A_305 = tpu.vector_load %arg8[%parallel_loop3A_303, %parallel_loop3A_304] {strides = array<i32>} : memref<2x9984xi32, #tpu.memory_space<vmem>>, vector<16xi32>,
      %parallel_loop3A_306 = tpu.vector_load_idx %arg6[%parallel_loop3A_305] : memref<50000xf32, #tpu.memory_space<vmem>>[vector<16xi32>], vector<16xf32>,
      %parallel_loop3A_307 = arith.subf %parallel_loop3A_301, %parallel_loop3A_306 : vector<16xf32>
      %parallel_loop3A_308 = math.absf %parallel_loop3A_307 : vector<16xf32>
      %parallel_loop3A_309 = arith.mulf %parallel_loop3A_296, %parallel_loop3A_308 : vector<16xf32>
      %parallel_loop3A_310 = arith.addf %parallel_loop3A_249, %parallel_loop3A_309 : vector<16xf32>
      %parallel_loop3A_311 = arith.constant 3 : i32
      %parallel_loop3A_312 = arith.addi %parallel_loop3A_246, %parallel_loop3A_311 : i32
      %parallel_loop3A_313 = arith.constant 16 : i32
      %parallel_loop3A_314 = arith.muli %parallel_loop3A_312, %parallel_loop3A_313 : i32
      %parallel_loop3A_315 = arith.index_cast %parallel_loop3A_314 : i32 to index
      %parallel_loop3A_316 = tpu.vector_load %arg10[%parallel_loop3A_315] {strides = array<i32>} : memref<9984xf32, #tpu.memory_space<vmem>>, vector<16xf32>,
      %parallel_loop3A_317 = arith.constant 0 : i32
      %parallel_loop3A_318 = arith.index_cast %parallel_loop3A_317 : i32 to index
      %parallel_loop3A_319 = arith.index_cast %parallel_loop3A_314 : i32 to index
      %parallel_loop3A_320 = tpu.vector_load %arg8[%parallel_loop3A_318, %parallel_loop3A_319] {strides = array<i32>} : memref<2x9984xi32, #tpu.memory_space<vmem>>, vector<16xi32>,
      %parallel_loop3A_321 = tpu.vector_load_idx %arg6[%parallel_loop3A_320] : memref<50000xf32, #tpu.memory_space<vmem>>[vector<16xi32>], vector<16xf32>,
      %parallel_loop3A_322 = arith.constant 1 : i32
      %parallel_loop3A_323 = arith.index_cast %parallel_loop3A_322 : i32 to index
      %parallel_loop3A_324 = arith.index_cast %parallel_loop3A_314 : i32 to index
      %parallel_loop3A_325 = tpu.vector_load %arg8[%parallel_loop3A_323, %parallel_loop3A_324] {strides = array<i32>} : memref<2x9984xi32, #tpu.memory_space<vmem>>, vector<16xi32>,
      %parallel_loop3A_326 = tpu.vector_load_idx %arg6[%parallel_loop3A_325] : memref<50000xf32, #tpu.memory_space<vmem>>[vector<16xi32>], vector<16xf32>,
      %parallel_loop3A_327 = arith.subf %parallel_loop3A_321, %parallel_loop3A_326 : vector<16xf32>
      %parallel_loop3A_328 = math.absf %parallel_loop3A_327 : vector<16xf32>
      %parallel_loop3A_329 = arith.mulf %parallel_loop3A_316, %parallel_loop3A_328 : vector<16xf32>
      %parallel_loop3A_330 = arith.addf %parallel_loop3A_250, %parallel_loop3A_329 : vector<16xf32>
      scf.yield %parallel_loop3A_270, %parallel_loop3A_290, %parallel_loop3A_310, %parallel_loop3A_330 : vector<16xf32>, vector<16xf32>, vector<16xf32>, vector<16xf32>
    } {sc.loop_unroll_factor = 1 : i64, sc.parallel_access}
    %add3A_63 = arith.constant 29952 : i32
    %add3A_64 = arith.addi %mul3A_7, %add3A_63 : i32
    %multiple_of3A_65 = tpu.assume_multiple %add3A_64, 128 : i32
    %dma_start3A_66 = arith.constant 0 : i32
    %dma_start3A_67 = tpu.memref_slice %arg3[%dma_start3A_66, %multiple_of3A_65] : memref<2x1600000xi32, #tpu.memory_space<hbm>> -> memref<2x9984xi32, #tpu.memory_space<hbm>>
    %dma_start3A_68 = arith.constant 0 : i32
    %dma_start3A_69 = tpu.memref_slice %arg3[%dma_start3A_68, %multiple_of3A_65] : memref<2x1600000xi32, #tpu.memory_space<hbm>> -> memref<2x9984xi32, #tpu.memory_space<hbm>>
    tpu.enqueue_dma source(%dma_start3A_69 : memref<2x9984xi32, #tpu.memory_space<hbm>>) target(%arg8 : memref<2x9984xi32, #tpu.memory_space<vmem>>) target_semaphore(%arg16 : memref<!tpu.dma_semaphore, #tpu.memory_space<semaphore_mem>>)
    %dma_start3A_70 = tpu.memref_slice %arg4[%multiple_of3A_65] : memref<1600000xf32, #tpu.memory_space<hbm>> -> memref<9984xf32, #tpu.memory_space<hbm>>
    %dma_start3A_71 = tpu.memref_slice %arg4[%multiple_of3A_65] : memref<1600000xf32, #tpu.memory_space<hbm>> -> memref<9984xf32, #tpu.memory_space<hbm>>
    tpu.enqueue_dma source(%dma_start3A_71 : memref<9984xf32, #tpu.memory_space<hbm>>) target(%arg10 : memref<9984xf32, #tpu.memory_space<vmem>>) target_semaphore(%arg16 : memref<!tpu.dma_semaphore, #tpu.memory_space<semaphore_mem>>)
    %dma_wait3A_72 = arith.constant 0 : i32
    %dma_wait3A_73 = tpu.memref_slice %arg3[%dma_wait3A_72, %multiple_of3A_46] : memref<2x1600000xi32, #tpu.memory_space<hbm>> -> memref<2x9984xi32, #tpu.memory_space<hbm>>
    %dma_wait3A_74 = arith.constant 0 : i32
    %dma_wait3A_75 = tpu.memref_slice %arg3[%dma_wait3A_74, %multiple_of3A_46] : memref<2x1600000xi32, #tpu.memory_space<hbm>> -> memref<2x9984xi32, #tpu.memory_space<hbm>>
    tpu.wait_dma2 semaphore(%arg15 : memref<!tpu.dma_semaphore, #tpu.memory_space<semaphore_mem>>) src(%dma_wait3A_75 : memref<2x9984xi32, #tpu.memory_space<hbm>>) dst(%arg7 : memref<2x9984xi32, #tpu.memory_space<vmem>>)
    %dma_wait3A_76 = tpu.memref_slice %arg4[%multiple_of3A_46] : memref<1600000xf32, #tpu.memory_space<hbm>> -> memref<9984xf32, #tpu.memory_space<hbm>>
    %dma_wait3A_77 = tpu.memref_slice %arg4[%multiple_of3A_46] : memref<1600000xf32, #tpu.memory_space<hbm>> -> memref<9984xf32, #tpu.memory_space<hbm>>
    tpu.wait_dma2 semaphore(%arg15 : memref<!tpu.dma_semaphore, #tpu.memory_space<semaphore_mem>>) src(%dma_wait3A_77 : memref<9984xf32, #tpu.memory_space<hbm>>) dst(%arg9 : memref<9984xf32, #tpu.memory_space<vmem>>)
    %parallel_loop3A_78 = arith.constant 0 : i32
    %parallel_loop3A_79 = arith.constant 624 : i32
    %parallel_loop3A_80 = arith.constant 4 : i32
    %parallel_loop3A_81:4 = scf.for %parallel_loop3A_246 = %parallel_loop3A_78 to %parallel_loop3A_79 step %parallel_loop3A_80 iter_args(%parallel_loop3A_247 = %parallel_loop3A_62#0, %parallel_loop3A_248 = %parallel_loop3A_62#1, %parallel_loop3A_249 = %parallel_loop3A_62#2, %parallel_loop3A_250 = %parallel_loop3A_62#3) -> (vector<16xf32>, vector<16xf32>, vector<16xf32>, vector<16xf32>)  : i32 {
      %parallel_loop3A_251 = arith.constant 0 : i32
      %parallel_loop3A_252 = arith.addi %parallel_loop3A_246, %parallel_loop3A_251 : i32
      %parallel_loop3A_253 = arith.constant 16 : i32
      %parallel_loop3A_254 = arith.muli %parallel_loop3A_252, %parallel_loop3A_253 : i32
      %parallel_loop3A_255 = arith.index_cast %parallel_loop3A_254 : i32 to index
      %parallel_loop3A_256 = tpu.vector_load %arg9[%parallel_loop3A_255] {strides = array<i32>} : memref<9984xf32, #tpu.memory_space<vmem>>, vector<16xf32>,
      %parallel_loop3A_257 = arith.constant 0 : i32
      %parallel_loop3A_258 = arith.index_cast %parallel_loop3A_257 : i32 to index
      %parallel_loop3A_259 = arith.index_cast %parallel_loop3A_254 : i32 to index
      %parallel_loop3A_260 = tpu.vector_load %arg7[%parallel_loop3A_258, %parallel_loop3A_259] {strides = array<i32>} : memref<2x9984xi32, #tpu.memory_space<vmem>>, vector<16xi32>,
      %parallel_loop3A_261 = tpu.vector_load_idx %arg6[%parallel_loop3A_260] : memref<50000xf32, #tpu.memory_space<vmem>>[vector<16xi32>], vector<16xf32>,
      %parallel_loop3A_262 = arith.constant 1 : i32
      %parallel_loop3A_263 = arith.index_cast %parallel_loop3A_262 : i32 to index
      %parallel_loop3A_264 = arith.index_cast %parallel_loop3A_254 : i32 to index
      %parallel_loop3A_265 = tpu.vector_load %arg7[%parallel_loop3A_263, %parallel_loop3A_264] {strides = array<i32>} : memref<2x9984xi32, #tpu.memory_space<vmem>>, vector<16xi32>,
      %parallel_loop3A_266 = tpu.vector_load_idx %arg6[%parallel_loop3A_265] : memref<50000xf32, #tpu.memory_space<vmem>>[vector<16xi32>], vector<16xf32>,
      %parallel_loop3A_267 = arith.subf %parallel_loop3A_261, %parallel_loop3A_266 : vector<16xf32>
      %parallel_loop3A_268 = math.absf %parallel_loop3A_267 : vector<16xf32>
      %parallel_loop3A_269 = arith.mulf %parallel_loop3A_256, %parallel_loop3A_268 : vector<16xf32>
      %parallel_loop3A_270 = arith.addf %parallel_loop3A_247, %parallel_loop3A_269 : vector<16xf32>
      %parallel_loop3A_271 = arith.constant 1 : i32
      %parallel_loop3A_272 = arith.addi %parallel_loop3A_246, %parallel_loop3A_271 : i32
      %parallel_loop3A_273 = arith.constant 16 : i32
      %parallel_loop3A_274 = arith.muli %parallel_loop3A_272, %parallel_loop3A_273 : i32
      %parallel_loop3A_275 = arith.index_cast %parallel_loop3A_274 : i32 to index
      %parallel_loop3A_276 = tpu.vector_load %arg9[%parallel_loop3A_275] {strides = array<i32>} : memref<9984xf32, #tpu.memory_space<vmem>>, vector<16xf32>,
      %parallel_loop3A_277 = arith.constant 0 : i32
      %parallel_loop3A_278 = arith.index_cast %parallel_loop3A_277 : i32 to index
      %parallel_loop3A_279 = arith.index_cast %parallel_loop3A_274 : i32 to index
      %parallel_loop3A_280 = tpu.vector_load %arg7[%parallel_loop3A_278, %parallel_loop3A_279] {strides = array<i32>} : memref<2x9984xi32, #tpu.memory_space<vmem>>, vector<16xi32>,
      %parallel_loop3A_281 = tpu.vector_load_idx %arg6[%parallel_loop3A_280] : memref<50000xf32, #tpu.memory_space<vmem>>[vector<16xi32>], vector<16xf32>,
      %parallel_loop3A_282 = arith.constant 1 : i32
      %parallel_loop3A_283 = arith.index_cast %parallel_loop3A_282 : i32 to index
      %parallel_loop3A_284 = arith.index_cast %parallel_loop3A_274 : i32 to index
      %parallel_loop3A_285 = tpu.vector_load %arg7[%parallel_loop3A_283, %parallel_loop3A_284] {strides = array<i32>} : memref<2x9984xi32, #tpu.memory_space<vmem>>, vector<16xi32>,
      %parallel_loop3A_286 = tpu.vector_load_idx %arg6[%parallel_loop3A_285] : memref<50000xf32, #tpu.memory_space<vmem>>[vector<16xi32>], vector<16xf32>,
      %parallel_loop3A_287 = arith.subf %parallel_loop3A_281, %parallel_loop3A_286 : vector<16xf32>
      %parallel_loop3A_288 = math.absf %parallel_loop3A_287 : vector<16xf32>
      %parallel_loop3A_289 = arith.mulf %parallel_loop3A_276, %parallel_loop3A_288 : vector<16xf32>
      %parallel_loop3A_290 = arith.addf %parallel_loop3A_248, %parallel_loop3A_289 : vector<16xf32>
      %parallel_loop3A_291 = arith.constant 2 : i32
      %parallel_loop3A_292 = arith.addi %parallel_loop3A_246, %parallel_loop3A_291 : i32
      %parallel_loop3A_293 = arith.constant 16 : i32
      %parallel_loop3A_294 = arith.muli %parallel_loop3A_292, %parallel_loop3A_293 : i32
      %parallel_loop3A_295 = arith.index_cast %parallel_loop3A_294 : i32 to index
      %parallel_loop3A_296 = tpu.vector_load %arg9[%parallel_loop3A_295] {strides = array<i32>} : memref<9984xf32, #tpu.memory_space<vmem>>, vector<16xf32>,
      %parallel_loop3A_297 = arith.constant 0 : i32
      %parallel_loop3A_298 = arith.index_cast %parallel_loop3A_297 : i32 to index
      %parallel_loop3A_299 = arith.index_cast %parallel_loop3A_294 : i32 to index
      %parallel_loop3A_300 = tpu.vector_load %arg7[%parallel_loop3A_298, %parallel_loop3A_299] {strides = array<i32>} : memref<2x9984xi32, #tpu.memory_space<vmem>>, vector<16xi32>,
      %parallel_loop3A_301 = tpu.vector_load_idx %arg6[%parallel_loop3A_300] : memref<50000xf32, #tpu.memory_space<vmem>>[vector<16xi32>], vector<16xf32>,
      %parallel_loop3A_302 = arith.constant 1 : i32
      %parallel_loop3A_303 = arith.index_cast %parallel_loop3A_302 : i32 to index
      %parallel_loop3A_304 = arith.index_cast %parallel_loop3A_294 : i32 to index
      %parallel_loop3A_305 = tpu.vector_load %arg7[%parallel_loop3A_303, %parallel_loop3A_304] {strides = array<i32>} : memref<2x9984xi32, #tpu.memory_space<vmem>>, vector<16xi32>,
      %parallel_loop3A_306 = tpu.vector_load_idx %arg6[%parallel_loop3A_305] : memref<50000xf32, #tpu.memory_space<vmem>>[vector<16xi32>], vector<16xf32>,
      %parallel_loop3A_307 = arith.subf %parallel_loop3A_301, %parallel_loop3A_306 : vector<16xf32>
      %parallel_loop3A_308 = math.absf %parallel_loop3A_307 : vector<16xf32>
      %parallel_loop3A_309 = arith.mulf %parallel_loop3A_296, %parallel_loop3A_308 : vector<16xf32>
      %parallel_loop3A_310 = arith.addf %parallel_loop3A_249, %parallel_loop3A_309 : vector<16xf32>
      %parallel_loop3A_311 = arith.constant 3 : i32
      %parallel_loop3A_312 = arith.addi %parallel_loop3A_246, %parallel_loop3A_311 : i32
      %parallel_loop3A_313 = arith.constant 16 : i32
      %parallel_loop3A_314 = arith.muli %parallel_loop3A_312, %parallel_loop3A_313 : i32
      %parallel_loop3A_315 = arith.index_cast %parallel_loop3A_314 : i32 to index
      %parallel_loop3A_316 = tpu.vector_load %arg9[%parallel_loop3A_315] {strides = array<i32>} : memref<9984xf32, #tpu.memory_space<vmem>>, vector<16xf32>,
      %parallel_loop3A_317 = arith.constant 0 : i32
      %parallel_loop3A_318 = arith.index_cast %parallel_loop3A_317 : i32 to index
      %parallel_loop3A_319 = arith.index_cast %parallel_loop3A_314 : i32 to index
      %parallel_loop3A_320 = tpu.vector_load %arg7[%parallel_loop3A_318, %parallel_loop3A_319] {strides = array<i32>} : memref<2x9984xi32, #tpu.memory_space<vmem>>, vector<16xi32>,
      %parallel_loop3A_321 = tpu.vector_load_idx %arg6[%parallel_loop3A_320] : memref<50000xf32, #tpu.memory_space<vmem>>[vector<16xi32>], vector<16xf32>,
      %parallel_loop3A_322 = arith.constant 1 : i32
      %parallel_loop3A_323 = arith.index_cast %parallel_loop3A_322 : i32 to index
      %parallel_loop3A_324 = arith.index_cast %parallel_loop3A_314 : i32 to index
      %parallel_loop3A_325 = tpu.vector_load %arg7[%parallel_loop3A_323, %parallel_loop3A_324] {strides = array<i32>} : memref<2x9984xi32, #tpu.memory_space<vmem>>, vector<16xi32>,
      %parallel_loop3A_326 = tpu.vector_load_idx %arg6[%parallel_loop3A_325] : memref<50000xf32, #tpu.memory_space<vmem>>[vector<16xi32>], vector<16xf32>,
      %parallel_loop3A_327 = arith.subf %parallel_loop3A_321, %parallel_loop3A_326 : vector<16xf32>
      %parallel_loop3A_328 = math.absf %parallel_loop3A_327 : vector<16xf32>
      %parallel_loop3A_329 = arith.mulf %parallel_loop3A_316, %parallel_loop3A_328 : vector<16xf32>
      %parallel_loop3A_330 = arith.addf %parallel_loop3A_250, %parallel_loop3A_329 : vector<16xf32>
      scf.yield %parallel_loop3A_270, %parallel_loop3A_290, %parallel_loop3A_310, %parallel_loop3A_330 : vector<16xf32>, vector<16xf32>, vector<16xf32>, vector<16xf32>
    } {sc.loop_unroll_factor = 1 : i64, sc.parallel_access}
    %add3A_82 = arith.constant 39936 : i32
    %add3A_83 = arith.addi %mul3A_7, %add3A_82 : i32
    %multiple_of3A_84 = tpu.assume_multiple %add3A_83, 128 : i32
    %dma_start3A_85 = arith.constant 0 : i32
    %dma_start3A_86 = tpu.memref_slice %arg3[%dma_start3A_85, %multiple_of3A_84] : memref<2x1600000xi32, #tpu.memory_space<hbm>> -> memref<2x9984xi32, #tpu.memory_space<hbm>>
    %dma_start3A_87 = arith.constant 0 : i32
    %dma_start3A_88 = tpu.memref_slice %arg3[%dma_start3A_87, %multiple_of3A_84] : memref<2x1600000xi32, #tpu.memory_space<hbm>> -> memref<2x9984xi32, #tpu.memory_space<hbm>>
    tpu.enqueue_dma source(%dma_start3A_88 : memref<2x9984xi32, #tpu.memory_space<hbm>>) target(%arg7 : memref<2x9984xi32, #tpu.memory_space<vmem>>) target_semaphore(%arg15 : memref<!tpu.dma_semaphore, #tpu.memory_space<semaphore_mem>>)
    %dma_start3A_89 = tpu.memref_slice %arg4[%multiple_of3A_84] : memref<1600000xf32, #tpu.memory_space<hbm>> -> memref<9984xf32, #tpu.memory_space<hbm>>
    %dma_start3A_90 = tpu.memref_slice %arg4[%multiple_of3A_84] : memref<1600000xf32, #tpu.memory_space<hbm>> -> memref<9984xf32, #tpu.memory_space<hbm>>
    tpu.enqueue_dma source(%dma_start3A_90 : memref<9984xf32, #tpu.memory_space<hbm>>) target(%arg9 : memref<9984xf32, #tpu.memory_space<vmem>>) target_semaphore(%arg15 : memref<!tpu.dma_semaphore, #tpu.memory_space<semaphore_mem>>)
    %dma_wait3A_91 = arith.constant 0 : i32
    %dma_wait3A_92 = tpu.memref_slice %arg3[%dma_wait3A_91, %multiple_of3A_65] : memref<2x1600000xi32, #tpu.memory_space<hbm>> -> memref<2x9984xi32, #tpu.memory_space<hbm>>
    %dma_wait3A_93 = arith.constant 0 : i32
    %dma_wait3A_94 = tpu.memref_slice %arg3[%dma_wait3A_93, %multiple_of3A_65] : memref<2x1600000xi32, #tpu.memory_space<hbm>> -> memref<2x9984xi32, #tpu.memory_space<hbm>>
    tpu.wait_dma2 semaphore(%arg16 : memref<!tpu.dma_semaphore, #tpu.memory_space<semaphore_mem>>) src(%dma_wait3A_94 : memref<2x9984xi32, #tpu.memory_space<hbm>>) dst(%arg8 : memref<2x9984xi32, #tpu.memory_space<vmem>>)
    %dma_wait3A_95 = tpu.memref_slice %arg4[%multiple_of3A_65] : memref<1600000xf32, #tpu.memory_space<hbm>> -> memref<9984xf32, #tpu.memory_space<hbm>>
    %dma_wait3A_96 = tpu.memref_slice %arg4[%multiple_of3A_65] : memref<1600000xf32, #tpu.memory_space<hbm>> -> memref<9984xf32, #tpu.memory_space<hbm>>
    tpu.wait_dma2 semaphore(%arg16 : memref<!tpu.dma_semaphore, #tpu.memory_space<semaphore_mem>>) src(%dma_wait3A_96 : memref<9984xf32, #tpu.memory_space<hbm>>) dst(%arg10 : memref<9984xf32, #tpu.memory_space<vmem>>)
    %parallel_loop3A_97 = arith.constant 0 : i32
    %parallel_loop3A_98 = arith.constant 624 : i32
    %parallel_loop3A_99 = arith.constant 4 : i32
    %parallel_loop3A_100:4 = scf.for %parallel_loop3A_246 = %parallel_loop3A_97 to %parallel_loop3A_98 step %parallel_loop3A_99 iter_args(%parallel_loop3A_247 = %parallel_loop3A_81#0, %parallel_loop3A_248 = %parallel_loop3A_81#1, %parallel_loop3A_249 = %parallel_loop3A_81#2, %parallel_loop3A_250 = %parallel_loop3A_81#3) -> (vector<16xf32>, vector<16xf32>, vector<16xf32>, vector<16xf32>)  : i32 {
      %parallel_loop3A_251 = arith.constant 0 : i32
      %parallel_loop3A_252 = arith.addi %parallel_loop3A_246, %parallel_loop3A_251 : i32
      %parallel_loop3A_253 = arith.constant 16 : i32
      %parallel_loop3A_254 = arith.muli %parallel_loop3A_252, %parallel_loop3A_253 : i32
      %parallel_loop3A_255 = arith.index_cast %parallel_loop3A_254 : i32 to index
      %parallel_loop3A_256 = tpu.vector_load %arg10[%parallel_loop3A_255] {strides = array<i32>} : memref<9984xf32, #tpu.memory_space<vmem>>, vector<16xf32>,
      %parallel_loop3A_257 = arith.constant 0 : i32
      %parallel_loop3A_258 = arith.index_cast %parallel_loop3A_257 : i32 to index
      %parallel_loop3A_259 = arith.index_cast %parallel_loop3A_254 : i32 to index
      %parallel_loop3A_260 = tpu.vector_load %arg8[%parallel_loop3A_258, %parallel_loop3A_259] {strides = array<i32>} : memref<2x9984xi32, #tpu.memory_space<vmem>>, vector<16xi32>,
      %parallel_loop3A_261 = tpu.vector_load_idx %arg6[%parallel_loop3A_260] : memref<50000xf32, #tpu.memory_space<vmem>>[vector<16xi32>], vector<16xf32>,
      %parallel_loop3A_262 = arith.constant 1 : i32
      %parallel_loop3A_263 = arith.index_cast %parallel_loop3A_262 : i32 to index
      %parallel_loop3A_264 = arith.index_cast %parallel_loop3A_254 : i32 to index
      %parallel_loop3A_265 = tpu.vector_load %arg8[%parallel_loop3A_263, %parallel_loop3A_264] {strides = array<i32>} : memref<2x9984xi32, #tpu.memory_space<vmem>>, vector<16xi32>,
      %parallel_loop3A_266 = tpu.vector_load_idx %arg6[%parallel_loop3A_265] : memref<50000xf32, #tpu.memory_space<vmem>>[vector<16xi32>], vector<16xf32>,
      %parallel_loop3A_267 = arith.subf %parallel_loop3A_261, %parallel_loop3A_266 : vector<16xf32>
      %parallel_loop3A_268 = math.absf %parallel_loop3A_267 : vector<16xf32>
      %parallel_loop3A_269 = arith.mulf %parallel_loop3A_256, %parallel_loop3A_268 : vector<16xf32>
      %parallel_loop3A_270 = arith.addf %parallel_loop3A_247, %parallel_loop3A_269 : vector<16xf32>
      %parallel_loop3A_271 = arith.constant 1 : i32
      %parallel_loop3A_272 = arith.addi %parallel_loop3A_246, %parallel_loop3A_271 : i32
      %parallel_loop3A_273 = arith.constant 16 : i32
      %parallel_loop3A_274 = arith.muli %parallel_loop3A_272, %parallel_loop3A_273 : i32
      %parallel_loop3A_275 = arith.index_cast %parallel_loop3A_274 : i32 to index
      %parallel_loop3A_276 = tpu.vector_load %arg10[%parallel_loop3A_275] {strides = array<i32>} : memref<9984xf32, #tpu.memory_space<vmem>>, vector<16xf32>,
      %parallel_loop3A_277 = arith.constant 0 : i32
      %parallel_loop3A_278 = arith.index_cast %parallel_loop3A_277 : i32 to index
      %parallel_loop3A_279 = arith.index_cast %parallel_loop3A_274 : i32 to index
      %parallel_loop3A_280 = tpu.vector_load %arg8[%parallel_loop3A_278, %parallel_loop3A_279] {strides = array<i32>} : memref<2x9984xi32, #tpu.memory_space<vmem>>, vector<16xi32>,
      %parallel_loop3A_281 = tpu.vector_load_idx %arg6[%parallel_loop3A_280] : memref<50000xf32, #tpu.memory_space<vmem>>[vector<16xi32>], vector<16xf32>,
      %parallel_loop3A_282 = arith.constant 1 : i32
      %parallel_loop3A_283 = arith.index_cast %parallel_loop3A_282 : i32 to index
      %parallel_loop3A_284 = arith.index_cast %parallel_loop3A_274 : i32 to index
      %parallel_loop3A_285 = tpu.vector_load %arg8[%parallel_loop3A_283, %parallel_loop3A_284] {strides = array<i32>} : memref<2x9984xi32, #tpu.memory_space<vmem>>, vector<16xi32>,
      %parallel_loop3A_286 = tpu.vector_load_idx %arg6[%parallel_loop3A_285] : memref<50000xf32, #tpu.memory_space<vmem>>[vector<16xi32>], vector<16xf32>,
      %parallel_loop3A_287 = arith.subf %parallel_loop3A_281, %parallel_loop3A_286 : vector<16xf32>
      %parallel_loop3A_288 = math.absf %parallel_loop3A_287 : vector<16xf32>
      %parallel_loop3A_289 = arith.mulf %parallel_loop3A_276, %parallel_loop3A_288 : vector<16xf32>
      %parallel_loop3A_290 = arith.addf %parallel_loop3A_248, %parallel_loop3A_289 : vector<16xf32>
      %parallel_loop3A_291 = arith.constant 2 : i32
      %parallel_loop3A_292 = arith.addi %parallel_loop3A_246, %parallel_loop3A_291 : i32
      %parallel_loop3A_293 = arith.constant 16 : i32
      %parallel_loop3A_294 = arith.muli %parallel_loop3A_292, %parallel_loop3A_293 : i32
      %parallel_loop3A_295 = arith.index_cast %parallel_loop3A_294 : i32 to index
      %parallel_loop3A_296 = tpu.vector_load %arg10[%parallel_loop3A_295] {strides = array<i32>} : memref<9984xf32, #tpu.memory_space<vmem>>, vector<16xf32>,
      %parallel_loop3A_297 = arith.constant 0 : i32
      %parallel_loop3A_298 = arith.index_cast %parallel_loop3A_297 : i32 to index
      %parallel_loop3A_299 = arith.index_cast %parallel_loop3A_294 : i32 to index
      %parallel_loop3A_300 = tpu.vector_load %arg8[%parallel_loop3A_298, %parallel_loop3A_299] {strides = array<i32>} : memref<2x9984xi32, #tpu.memory_space<vmem>>, vector<16xi32>,
      %parallel_loop3A_301 = tpu.vector_load_idx %arg6[%parallel_loop3A_300] : memref<50000xf32, #tpu.memory_space<vmem>>[vector<16xi32>], vector<16xf32>,
      %parallel_loop3A_302 = arith.constant 1 : i32
      %parallel_loop3A_303 = arith.index_cast %parallel_loop3A_302 : i32 to index
      %parallel_loop3A_304 = arith.index_cast %parallel_loop3A_294 : i32 to index
      %parallel_loop3A_305 = tpu.vector_load %arg8[%parallel_loop3A_303, %parallel_loop3A_304] {strides = array<i32>} : memref<2x9984xi32, #tpu.memory_space<vmem>>, vector<16xi32>,
      %parallel_loop3A_306 = tpu.vector_load_idx %arg6[%parallel_loop3A_305] : memref<50000xf32, #tpu.memory_space<vmem>>[vector<16xi32>], vector<16xf32>,
      %parallel_loop3A_307 = arith.subf %parallel_loop3A_301, %parallel_loop3A_306 : vector<16xf32>
      %parallel_loop3A_308 = math.absf %parallel_loop3A_307 : vector<16xf32>
      %parallel_loop3A_309 = arith.mulf %parallel_loop3A_296, %parallel_loop3A_308 : vector<16xf32>
      %parallel_loop3A_310 = arith.addf %parallel_loop3A_249, %parallel_loop3A_309 : vector<16xf32>
      %parallel_loop3A_311 = arith.constant 3 : i32
      %parallel_loop3A_312 = arith.addi %parallel_loop3A_246, %parallel_loop3A_311 : i32
      %parallel_loop3A_313 = arith.constant 16 : i32
      %parallel_loop3A_314 = arith.muli %parallel_loop3A_312, %parallel_loop3A_313 : i32
      %parallel_loop3A_315 = arith.index_cast %parallel_loop3A_314 : i32 to index
      %parallel_loop3A_316 = tpu.vector_load %arg10[%parallel_loop3A_315] {strides = array<i32>} : memref<9984xf32, #tpu.memory_space<vmem>>, vector<16xf32>,
      %parallel_loop3A_317 = arith.constant 0 : i32
      %parallel_loop3A_318 = arith.index_cast %parallel_loop3A_317 : i32 to index
      %parallel_loop3A_319 = arith.index_cast %parallel_loop3A_314 : i32 to index
      %parallel_loop3A_320 = tpu.vector_load %arg8[%parallel_loop3A_318, %parallel_loop3A_319] {strides = array<i32>} : memref<2x9984xi32, #tpu.memory_space<vmem>>, vector<16xi32>,
      %parallel_loop3A_321 = tpu.vector_load_idx %arg6[%parallel_loop3A_320] : memref<50000xf32, #tpu.memory_space<vmem>>[vector<16xi32>], vector<16xf32>,
      %parallel_loop3A_322 = arith.constant 1 : i32
      %parallel_loop3A_323 = arith.index_cast %parallel_loop3A_322 : i32 to index
      %parallel_loop3A_324 = arith.index_cast %parallel_loop3A_314 : i32 to index
      %parallel_loop3A_325 = tpu.vector_load %arg8[%parallel_loop3A_323, %parallel_loop3A_324] {strides = array<i32>} : memref<2x9984xi32, #tpu.memory_space<vmem>>, vector<16xi32>,
      %parallel_loop3A_326 = tpu.vector_load_idx %arg6[%parallel_loop3A_325] : memref<50000xf32, #tpu.memory_space<vmem>>[vector<16xi32>], vector<16xf32>,
      %parallel_loop3A_327 = arith.subf %parallel_loop3A_321, %parallel_loop3A_326 : vector<16xf32>
      %parallel_loop3A_328 = math.absf %parallel_loop3A_327 : vector<16xf32>
      %parallel_loop3A_329 = arith.mulf %parallel_loop3A_316, %parallel_loop3A_328 : vector<16xf32>
      %parallel_loop3A_330 = arith.addf %parallel_loop3A_250, %parallel_loop3A_329 : vector<16xf32>
      scf.yield %parallel_loop3A_270, %parallel_loop3A_290, %parallel_loop3A_310, %parallel_loop3A_330 : vector<16xf32>, vector<16xf32>, vector<16xf32>, vector<16xf32>
    } {sc.loop_unroll_factor = 1 : i64, sc.parallel_access}
    %dma_wait3A_101 = arith.constant 0 : i32
    %dma_wait3A_102 = tpu.memref_slice %arg3[%dma_wait3A_101, %multiple_of3A_84] : memref<2x1600000xi32, #tpu.memory_space<hbm>> -> memref<2x9984xi32, #tpu.memory_space<hbm>>
    %dma_wait3A_103 = arith.constant 0 : i32
    %dma_wait3A_104 = tpu.memref_slice %arg3[%dma_wait3A_103, %multiple_of3A_84] : memref<2x1600000xi32, #tpu.memory_space<hbm>> -> memref<2x9984xi32, #tpu.memory_space<hbm>>
    tpu.wait_dma2 semaphore(%arg15 : memref<!tpu.dma_semaphore, #tpu.memory_space<semaphore_mem>>) src(%dma_wait3A_104 : memref<2x9984xi32, #tpu.memory_space<hbm>>) dst(%arg7 : memref<2x9984xi32, #tpu.memory_space<vmem>>)
    %dma_wait3A_105 = tpu.memref_slice %arg4[%multiple_of3A_84] : memref<1600000xf32, #tpu.memory_space<hbm>> -> memref<9984xf32, #tpu.memory_space<hbm>>
    %dma_wait3A_106 = tpu.memref_slice %arg4[%multiple_of3A_84] : memref<1600000xf32, #tpu.memory_space<hbm>> -> memref<9984xf32, #tpu.memory_space<hbm>>
    tpu.wait_dma2 semaphore(%arg15 : memref<!tpu.dma_semaphore, #tpu.memory_space<semaphore_mem>>) src(%dma_wait3A_106 : memref<9984xf32, #tpu.memory_space<hbm>>) dst(%arg9 : memref<9984xf32, #tpu.memory_space<vmem>>)
    %parallel_loop3A_107 = arith.constant 0 : i32
    %parallel_loop3A_108 = arith.constant 624 : i32
    %parallel_loop3A_109 = arith.constant 4 : i32
    %parallel_loop3A_110:4 = scf.for %parallel_loop3A_246 = %parallel_loop3A_107 to %parallel_loop3A_108 step %parallel_loop3A_109 iter_args(%parallel_loop3A_247 = %parallel_loop3A_100#0, %parallel_loop3A_248 = %parallel_loop3A_100#1, %parallel_loop3A_249 = %parallel_loop3A_100#2, %parallel_loop3A_250 = %parallel_loop3A_100#3) -> (vector<16xf32>, vector<16xf32>, vector<16xf32>, vector<16xf32>)  : i32 {
      %parallel_loop3A_251 = arith.constant 0 : i32
      %parallel_loop3A_252 = arith.addi %parallel_loop3A_246, %parallel_loop3A_251 : i32
      %parallel_loop3A_253 = arith.constant 16 : i32
      %parallel_loop3A_254 = arith.muli %parallel_loop3A_252, %parallel_loop3A_253 : i32
      %parallel_loop3A_255 = arith.index_cast %parallel_loop3A_254 : i32 to index
      %parallel_loop3A_256 = tpu.vector_load %arg9[%parallel_loop3A_255] {strides = array<i32>} : memref<9984xf32, #tpu.memory_space<vmem>>, vector<16xf32>,
      %parallel_loop3A_257 = arith.constant 0 : i32
      %parallel_loop3A_258 = arith.index_cast %parallel_loop3A_257 : i32 to index
      %parallel_loop3A_259 = arith.index_cast %parallel_loop3A_254 : i32 to index
      %parallel_loop3A_260 = tpu.vector_load %arg7[%parallel_loop3A_258, %parallel_loop3A_259] {strides = array<i32>} : memref<2x9984xi32, #tpu.memory_space<vmem>>, vector<16xi32>,
      %parallel_loop3A_261 = tpu.vector_load_idx %arg6[%parallel_loop3A_260] : memref<50000xf32, #tpu.memory_space<vmem>>[vector<16xi32>], vector<16xf32>,
      %parallel_loop3A_262 = arith.constant 1 : i32
      %parallel_loop3A_263 = arith.index_cast %parallel_loop3A_262 : i32 to index
      %parallel_loop3A_264 = arith.index_cast %parallel_loop3A_254 : i32 to index
      %parallel_loop3A_265 = tpu.vector_load %arg7[%parallel_loop3A_263, %parallel_loop3A_264] {strides = array<i32>} : memref<2x9984xi32, #tpu.memory_space<vmem>>, vector<16xi32>,
      %parallel_loop3A_266 = tpu.vector_load_idx %arg6[%parallel_loop3A_265] : memref<50000xf32, #tpu.memory_space<vmem>>[vector<16xi32>], vector<16xf32>,
      %parallel_loop3A_267 = arith.subf %parallel_loop3A_261, %parallel_loop3A_266 : vector<16xf32>
      %parallel_loop3A_268 = math.absf %parallel_loop3A_267 : vector<16xf32>
      %parallel_loop3A_269 = arith.mulf %parallel_loop3A_256, %parallel_loop3A_268 : vector<16xf32>
      %parallel_loop3A_270 = arith.addf %parallel_loop3A_247, %parallel_loop3A_269 : vector<16xf32>
      %parallel_loop3A_271 = arith.constant 1 : i32
      %parallel_loop3A_272 = arith.addi %parallel_loop3A_246, %parallel_loop3A_271 : i32
      %parallel_loop3A_273 = arith.constant 16 : i32
      %parallel_loop3A_274 = arith.muli %parallel_loop3A_272, %parallel_loop3A_273 : i32
      %parallel_loop3A_275 = arith.index_cast %parallel_loop3A_274 : i32 to index
      %parallel_loop3A_276 = tpu.vector_load %arg9[%parallel_loop3A_275] {strides = array<i32>} : memref<9984xf32, #tpu.memory_space<vmem>>, vector<16xf32>,
      %parallel_loop3A_277 = arith.constant 0 : i32
      %parallel_loop3A_278 = arith.index_cast %parallel_loop3A_277 : i32 to index
      %parallel_loop3A_279 = arith.index_cast %parallel_loop3A_274 : i32 to index
      %parallel_loop3A_280 = tpu.vector_load %arg7[%parallel_loop3A_278, %parallel_loop3A_279] {strides = array<i32>} : memref<2x9984xi32, #tpu.memory_space<vmem>>, vector<16xi32>,
      %parallel_loop3A_281 = tpu.vector_load_idx %arg6[%parallel_loop3A_280] : memref<50000xf32, #tpu.memory_space<vmem>>[vector<16xi32>], vector<16xf32>,
      %parallel_loop3A_282 = arith.constant 1 : i32
      %parallel_loop3A_283 = arith.index_cast %parallel_loop3A_282 : i32 to index
      %parallel_loop3A_284 = arith.index_cast %parallel_loop3A_274 : i32 to index
      %parallel_loop3A_285 = tpu.vector_load %arg7[%parallel_loop3A_283, %parallel_loop3A_284] {strides = array<i32>} : memref<2x9984xi32, #tpu.memory_space<vmem>>, vector<16xi32>,
      %parallel_loop3A_286 = tpu.vector_load_idx %arg6[%parallel_loop3A_285] : memref<50000xf32, #tpu.memory_space<vmem>>[vector<16xi32>], vector<16xf32>,
      %parallel_loop3A_287 = arith.subf %parallel_loop3A_281, %parallel_loop3A_286 : vector<16xf32>
      %parallel_loop3A_288 = math.absf %parallel_loop3A_287 : vector<16xf32>
      %parallel_loop3A_289 = arith.mulf %parallel_loop3A_276, %parallel_loop3A_288 : vector<16xf32>
      %parallel_loop3A_290 = arith.addf %parallel_loop3A_248, %parallel_loop3A_289 : vector<16xf32>
      %parallel_loop3A_291 = arith.constant 2 : i32
      %parallel_loop3A_292 = arith.addi %parallel_loop3A_246, %parallel_loop3A_291 : i32
      %parallel_loop3A_293 = arith.constant 16 : i32
      %parallel_loop3A_294 = arith.muli %parallel_loop3A_292, %parallel_loop3A_293 : i32
      %parallel_loop3A_295 = arith.index_cast %parallel_loop3A_294 : i32 to index
      %parallel_loop3A_296 = tpu.vector_load %arg9[%parallel_loop3A_295] {strides = array<i32>} : memref<9984xf32, #tpu.memory_space<vmem>>, vector<16xf32>,
      %parallel_loop3A_297 = arith.constant 0 : i32
      %parallel_loop3A_298 = arith.index_cast %parallel_loop3A_297 : i32 to index
      %parallel_loop3A_299 = arith.index_cast %parallel_loop3A_294 : i32 to index
      %parallel_loop3A_300 = tpu.vector_load %arg7[%parallel_loop3A_298, %parallel_loop3A_299] {strides = array<i32>} : memref<2x9984xi32, #tpu.memory_space<vmem>>, vector<16xi32>,
      %parallel_loop3A_301 = tpu.vector_load_idx %arg6[%parallel_loop3A_300] : memref<50000xf32, #tpu.memory_space<vmem>>[vector<16xi32>], vector<16xf32>,
      %parallel_loop3A_302 = arith.constant 1 : i32
      %parallel_loop3A_303 = arith.index_cast %parallel_loop3A_302 : i32 to index
      %parallel_loop3A_304 = arith.index_cast %parallel_loop3A_294 : i32 to index
      %parallel_loop3A_305 = tpu.vector_load %arg7[%parallel_loop3A_303, %parallel_loop3A_304] {strides = array<i32>} : memref<2x9984xi32, #tpu.memory_space<vmem>>, vector<16xi32>,
      %parallel_loop3A_306 = tpu.vector_load_idx %arg6[%parallel_loop3A_305] : memref<50000xf32, #tpu.memory_space<vmem>>[vector<16xi32>], vector<16xf32>,
      %parallel_loop3A_307 = arith.subf %parallel_loop3A_301, %parallel_loop3A_306 : vector<16xf32>
      %parallel_loop3A_308 = math.absf %parallel_loop3A_307 : vector<16xf32>
      %parallel_loop3A_309 = arith.mulf %parallel_loop3A_296, %parallel_loop3A_308 : vector<16xf32>
      %parallel_loop3A_310 = arith.addf %parallel_loop3A_249, %parallel_loop3A_309 : vector<16xf32>
      %parallel_loop3A_311 = arith.constant 3 : i32
      %parallel_loop3A_312 = arith.addi %parallel_loop3A_246, %parallel_loop3A_311 : i32
      %parallel_loop3A_313 = arith.constant 16 : i32
      %parallel_loop3A_314 = arith.muli %parallel_loop3A_312, %parallel_loop3A_313 : i32
      %parallel_loop3A_315 = arith.index_cast %parallel_loop3A_314 : i32 to index
      %parallel_loop3A_316 = tpu.vector_load %arg9[%parallel_loop3A_315] {strides = array<i32>} : memref<9984xf32, #tpu.memory_space<vmem>>, vector<16xf32>,
      %parallel_loop3A_317 = arith.constant 0 : i32
      %parallel_loop3A_318 = arith.index_cast %parallel_loop3A_317 : i32 to index
      %parallel_loop3A_319 = arith.index_cast %parallel_loop3A_314 : i32 to index
      %parallel_loop3A_320 = tpu.vector_load %arg7[%parallel_loop3A_318, %parallel_loop3A_319] {strides = array<i32>} : memref<2x9984xi32, #tpu.memory_space<vmem>>, vector<16xi32>,
      %parallel_loop3A_321 = tpu.vector_load_idx %arg6[%parallel_loop3A_320] : memref<50000xf32, #tpu.memory_space<vmem>>[vector<16xi32>], vector<16xf32>,
      %parallel_loop3A_322 = arith.constant 1 : i32
      %parallel_loop3A_323 = arith.index_cast %parallel_loop3A_322 : i32 to index
      %parallel_loop3A_324 = arith.index_cast %parallel_loop3A_314 : i32 to index
      %parallel_loop3A_325 = tpu.vector_load %arg7[%parallel_loop3A_323, %parallel_loop3A_324] {strides = array<i32>} : memref<2x9984xi32, #tpu.memory_space<vmem>>, vector<16xi32>,
      %parallel_loop3A_326 = tpu.vector_load_idx %arg6[%parallel_loop3A_325] : memref<50000xf32, #tpu.memory_space<vmem>>[vector<16xi32>], vector<16xf32>,
      %parallel_loop3A_327 = arith.subf %parallel_loop3A_321, %parallel_loop3A_326 : vector<16xf32>
      %parallel_loop3A_328 = math.absf %parallel_loop3A_327 : vector<16xf32>
      %parallel_loop3A_329 = arith.mulf %parallel_loop3A_316, %parallel_loop3A_328 : vector<16xf32>
      %parallel_loop3A_330 = arith.addf %parallel_loop3A_250, %parallel_loop3A_329 : vector<16xf32>
      scf.yield %parallel_loop3A_270, %parallel_loop3A_290, %parallel_loop3A_310, %parallel_loop3A_330 : vector<16xf32>, vector<16xf32>, vector<16xf32>, vector<16xf32>
    } {sc.loop_unroll_factor = 1 : i64, sc.parallel_access}
    %dma_wait3A_111 = arith.constant 0 : i32
    %dma_wait3A_112 = tpu.memref_slice %arg3[%dma_wait3A_111, %multiple_of3A_19] : memref<2x1600000xi32, #tpu.memory_space<hbm>> -> memref<2x128xi32, #tpu.memory_space<hbm>>
    %dma_wait3A_113 = arith.constant 0 : i32
    %dma_wait3A_114 = tpu.memref_slice %arg3[%dma_wait3A_113, %multiple_of3A_19] : memref<2x1600000xi32, #tpu.memory_space<hbm>> -> memref<2x128xi32, #tpu.memory_space<hbm>>
    tpu.wait_dma2 semaphore(%arg17 : memref<!tpu.dma_semaphore, #tpu.memory_space<semaphore_mem>>) src(%dma_wait3A_114 : memref<2x128xi32, #tpu.memory_space<hbm>>) dst(%arg11 : memref<2x128xi32, #tpu.memory_space<vmem>>)
    %dma_wait3A_115 = tpu.memref_slice %arg4[%multiple_of3A_19] : memref<1600000xf32, #tpu.memory_space<hbm>> -> memref<128xf32, #tpu.memory_space<hbm>>
    %dma_wait3A_116 = tpu.memref_slice %arg4[%multiple_of3A_19] : memref<1600000xf32, #tpu.memory_space<hbm>> -> memref<128xf32, #tpu.memory_space<hbm>>
    tpu.wait_dma2 semaphore(%arg17 : memref<!tpu.dma_semaphore, #tpu.memory_space<semaphore_mem>>) src(%dma_wait3A_116 : memref<128xf32, #tpu.memory_space<hbm>>) dst(%arg12 : memref<128xf32, #tpu.memory_space<vmem>>)
    %get3A = arith.constant 0 : index
    %get3A_117 = tpu.vector_load %arg12[%get3A] {strides = array<i32>} : memref<128xf32, #tpu.memory_space<vmem>>, vector<16xf32>,
    %get3A_118 = arith.constant 0 : i32
    %get3A_119 = arith.index_cast %get3A_118 : i32 to index
    %get3A_120 = arith.constant 0 : index
    %get3A_121 = tpu.vector_load %arg11[%get3A_119, %get3A_120] {strides = array<i32>} : memref<2x128xi32, #tpu.memory_space<vmem>>, vector<16xi32>,
    %gather3A = tpu.vector_load_idx %arg6[%get3A_121] : memref<50000xf32, #tpu.memory_space<vmem>>[vector<16xi32>], vector<16xf32>,
    %get3A_122 = arith.constant 1 : i32
    %get3A_123 = arith.index_cast %get3A_122 : i32 to index
    %get3A_124 = arith.constant 0 : index
    %get3A_125 = tpu.vector_load %arg11[%get3A_123, %get3A_124] {strides = array<i32>} : memref<2x128xi32, #tpu.memory_space<vmem>>, vector<16xi32>,
    %gather3A_126 = tpu.vector_load_idx %arg6[%get3A_125] : memref<50000xf32, #tpu.memory_space<vmem>>[vector<16xi32>], vector<16xf32>,
    %sub3A = arith.subf %gather3A, %gather3A_126 : vector<16xf32>
    %abs3A = math.absf %sub3A : vector<16xf32>
    %mul3A_127 = arith.mulf %get3A_117, %abs3A : vector<16xf32>
    %add3A_128 = arith.addf %broadcast_in_dim3A_26, %mul3A_127 : vector<16xf32>
    %get3A_129 = arith.constant 16 : index
    %get3A_130 = tpu.vector_load %arg12[%get3A_129] {strides = array<i32>} : memref<128xf32, #tpu.memory_space<vmem>>, vector<16xf32>,
    %get3A_131 = arith.constant 0 : i32
    %get3A_132 = arith.index_cast %get3A_131 : i32 to index
    %get3A_133 = arith.constant 16 : index
    %get3A_134 = tpu.vector_load %arg11[%get3A_132, %get3A_133] {strides = array<i32>} : memref<2x128xi32, #tpu.memory_space<vmem>>, vector<16xi32>,
    %gather3A_135 = tpu.vector_load_idx %arg6[%get3A_134] : memref<50000xf32, #tpu.memory_space<vmem>>[vector<16xi32>], vector<16xf32>,
    %get3A_136 = arith.constant 1 : i32
    %get3A_137 = arith.index_cast %get3A_136 : i32 to index
    %get3A_138 = arith.constant 16 : index
    %get3A_139 = tpu.vector_load %arg11[%get3A_137, %get3A_138] {strides = array<i32>} : memref<2x128xi32, #tpu.memory_space<vmem>>, vector<16xi32>,
    %gather3A_140 = tpu.vector_load_idx %arg6[%get3A_139] : memref<50000xf32, #tpu.memory_space<vmem>>[vector<16xi32>], vector<16xf32>,
    %sub3A_141 = arith.subf %gather3A_135, %gather3A_140 : vector<16xf32>
    %abs3A_142 = math.absf %sub3A_141 : vector<16xf32>
    %mul3A_143 = arith.mulf %get3A_130, %abs3A_142 : vector<16xf32>
    %add3A_144 = arith.addf %add3A_128, %mul3A_143 : vector<16xf32>
    %get3A_145 = arith.constant 32 : index
    %get3A_146 = tpu.vector_load %arg12[%get3A_145] {strides = array<i32>} : memref<128xf32, #tpu.memory_space<vmem>>, vector<16xf32>,
    %get3A_147 = arith.constant 0 : i32
    %get3A_148 = arith.index_cast %get3A_147 : i32 to index
    %get3A_149 = arith.constant 32 : index
    %get3A_150 = tpu.vector_load %arg11[%get3A_148, %get3A_149] {strides = array<i32>} : memref<2x128xi32, #tpu.memory_space<vmem>>, vector<16xi32>,
    %gather3A_151 = tpu.vector_load_idx %arg6[%get3A_150] : memref<50000xf32, #tpu.memory_space<vmem>>[vector<16xi32>], vector<16xf32>,
    %get3A_152 = arith.constant 1 : i32
    %get3A_153 = arith.index_cast %get3A_152 : i32 to index
    %get3A_154 = arith.constant 32 : index
    %get3A_155 = tpu.vector_load %arg11[%get3A_153, %get3A_154] {strides = array<i32>} : memref<2x128xi32, #tpu.memory_space<vmem>>, vector<16xi32>,
    %gather3A_156 = tpu.vector_load_idx %arg6[%get3A_155] : memref<50000xf32, #tpu.memory_space<vmem>>[vector<16xi32>], vector<16xf32>,
    %sub3A_157 = arith.subf %gather3A_151, %gather3A_156 : vector<16xf32>
    %abs3A_158 = math.absf %sub3A_157 : vector<16xf32>
    %mul3A_159 = arith.mulf %get3A_146, %abs3A_158 : vector<16xf32>
    %add3A_160 = arith.addf %add3A_144, %mul3A_159 : vector<16xf32>
    %get3A_161 = arith.constant 48 : index
    %get3A_162 = tpu.vector_load %arg12[%get3A_161] {strides = array<i32>} : memref<128xf32, #tpu.memory_space<vmem>>, vector<16xf32>,
    %get3A_163 = arith.constant 0 : i32
    %get3A_164 = arith.index_cast %get3A_163 : i32 to index
    %get3A_165 = arith.constant 48 : index
    %get3A_166 = tpu.vector_load %arg11[%get3A_164, %get3A_165] {strides = array<i32>} : memref<2x128xi32, #tpu.memory_space<vmem>>, vector<16xi32>,
    %gather3A_167 = tpu.vector_load_idx %arg6[%get3A_166] : memref<50000xf32, #tpu.memory_space<vmem>>[vector<16xi32>], vector<16xf32>,
    %get3A_168 = arith.constant 1 : i32
    %get3A_169 = arith.index_cast %get3A_168 : i32 to index
    %get3A_170 = arith.constant 48 : index
    %get3A_171 = tpu.vector_load %arg11[%get3A_169, %get3A_170] {strides = array<i32>} : memref<2x128xi32, #tpu.memory_space<vmem>>, vector<16xi32>,
    %gather3A_172 = tpu.vector_load_idx %arg6[%get3A_171] : memref<50000xf32, #tpu.memory_space<vmem>>[vector<16xi32>], vector<16xf32>,
    %sub3A_173 = arith.subf %gather3A_167, %gather3A_172 : vector<16xf32>
    %abs3A_174 = math.absf %sub3A_173 : vector<16xf32>
    %mul3A_175 = arith.mulf %get3A_162, %abs3A_174 : vector<16xf32>
    %add3A_176 = arith.addf %add3A_160, %mul3A_175 : vector<16xf32>
    %get3A_177 = arith.constant 64 : index
    %get3A_178 = tpu.vector_load %arg12[%get3A_177] {strides = array<i32>} : memref<128xf32, #tpu.memory_space<vmem>>, vector<16xf32>,
    %get3A_179 = arith.constant 0 : i32
    %get3A_180 = arith.index_cast %get3A_179 : i32 to index
    %get3A_181 = arith.constant 64 : index
    %get3A_182 = tpu.vector_load %arg11[%get3A_180, %get3A_181] {strides = array<i32>} : memref<2x128xi32, #tpu.memory_space<vmem>>, vector<16xi32>,
    %gather3A_183 = tpu.vector_load_idx %arg6[%get3A_182] : memref<50000xf32, #tpu.memory_space<vmem>>[vector<16xi32>], vector<16xf32>,
    %get3A_184 = arith.constant 1 : i32
    %get3A_185 = arith.index_cast %get3A_184 : i32 to index
    %get3A_186 = arith.constant 64 : index
    %get3A_187 = tpu.vector_load %arg11[%get3A_185, %get3A_186] {strides = array<i32>} : memref<2x128xi32, #tpu.memory_space<vmem>>, vector<16xi32>,
    %gather3A_188 = tpu.vector_load_idx %arg6[%get3A_187] : memref<50000xf32, #tpu.memory_space<vmem>>[vector<16xi32>], vector<16xf32>,
    %sub3A_189 = arith.subf %gather3A_183, %gather3A_188 : vector<16xf32>
    %abs3A_190 = math.absf %sub3A_189 : vector<16xf32>
    %mul3A_191 = arith.mulf %get3A_178, %abs3A_190 : vector<16xf32>
    %add3A_192 = arith.addf %add3A_176, %mul3A_191 : vector<16xf32>
    %get3A_193 = arith.constant 80 : index
    %get3A_194 = tpu.vector_load %arg12[%get3A_193] {strides = array<i32>} : memref<128xf32, #tpu.memory_space<vmem>>, vector<16xf32>,
    %get3A_195 = arith.constant 0 : i32
    %get3A_196 = arith.index_cast %get3A_195 : i32 to index
    %get3A_197 = arith.constant 80 : index
    %get3A_198 = tpu.vector_load %arg11[%get3A_196, %get3A_197] {strides = array<i32>} : memref<2x128xi32, #tpu.memory_space<vmem>>, vector<16xi32>,
    %gather3A_199 = tpu.vector_load_idx %arg6[%get3A_198] : memref<50000xf32, #tpu.memory_space<vmem>>[vector<16xi32>], vector<16xf32>,
    %get3A_200 = arith.constant 1 : i32
    %get3A_201 = arith.index_cast %get3A_200 : i32 to index
    %get3A_202 = arith.constant 80 : index
    %get3A_203 = tpu.vector_load %arg11[%get3A_201, %get3A_202] {strides = array<i32>} : memref<2x128xi32, #tpu.memory_space<vmem>>, vector<16xi32>,
    %gather3A_204 = tpu.vector_load_idx %arg6[%get3A_203] : memref<50000xf32, #tpu.memory_space<vmem>>[vector<16xi32>], vector<16xf32>,
    %sub3A_205 = arith.subf %gather3A_199, %gather3A_204 : vector<16xf32>
    %abs3A_206 = math.absf %sub3A_205 : vector<16xf32>
    %mul3A_207 = arith.mulf %get3A_194, %abs3A_206 : vector<16xf32>
    %add3A_208 = arith.addf %add3A_192, %mul3A_207 : vector<16xf32>
    %get3A_209 = arith.constant 96 : index
    %get3A_210 = tpu.vector_load %arg12[%get3A_209] {strides = array<i32>} : memref<128xf32, #tpu.memory_space<vmem>>, vector<16xf32>,
    %get3A_211 = arith.constant 0 : i32
    %get3A_212 = arith.index_cast %get3A_211 : i32 to index
    %get3A_213 = arith.constant 96 : index
    %get3A_214 = tpu.vector_load %arg11[%get3A_212, %get3A_213] {strides = array<i32>} : memref<2x128xi32, #tpu.memory_space<vmem>>, vector<16xi32>,
    %gather3A_215 = tpu.vector_load_idx %arg6[%get3A_214] : memref<50000xf32, #tpu.memory_space<vmem>>[vector<16xi32>], vector<16xf32>,
    %get3A_216 = arith.constant 1 : i32
    %get3A_217 = arith.index_cast %get3A_216 : i32 to index
    %get3A_218 = arith.constant 96 : index
    %get3A_219 = tpu.vector_load %arg11[%get3A_217, %get3A_218] {strides = array<i32>} : memref<2x128xi32, #tpu.memory_space<vmem>>, vector<16xi32>,
    %gather3A_220 = tpu.vector_load_idx %arg6[%get3A_219] : memref<50000xf32, #tpu.memory_space<vmem>>[vector<16xi32>], vector<16xf32>,
    %sub3A_221 = arith.subf %gather3A_215, %gather3A_220 : vector<16xf32>
    %abs3A_222 = math.absf %sub3A_221 : vector<16xf32>
    %mul3A_223 = arith.mulf %get3A_210, %abs3A_222 : vector<16xf32>
    %add3A_224 = arith.addf %add3A_208, %mul3A_223 : vector<16xf32>
    %get3A_225 = arith.constant 112 : index
    %get3A_226 = tpu.vector_load %arg12[%get3A_225] {strides = array<i32>} : memref<128xf32, #tpu.memory_space<vmem>>, vector<16xf32>,
    %get3A_227 = arith.constant 0 : i32
    %get3A_228 = arith.index_cast %get3A_227 : i32 to index
    %get3A_229 = arith.constant 112 : index
    %get3A_230 = tpu.vector_load %arg11[%get3A_228, %get3A_229] {strides = array<i32>} : memref<2x128xi32, #tpu.memory_space<vmem>>, vector<16xi32>,
    %gather3A_231 = tpu.vector_load_idx %arg6[%get3A_230] : memref<50000xf32, #tpu.memory_space<vmem>>[vector<16xi32>], vector<16xf32>,
    %get3A_232 = arith.constant 1 : i32
    %get3A_233 = arith.index_cast %get3A_232 : i32 to index
    %get3A_234 = arith.constant 112 : index
    %get3A_235 = tpu.vector_load %arg11[%get3A_233, %get3A_234] {strides = array<i32>} : memref<2x128xi32, #tpu.memory_space<vmem>>, vector<16xi32>,
    %gather3A_236 = tpu.vector_load_idx %arg6[%get3A_235] : memref<50000xf32, #tpu.memory_space<vmem>>[vector<16xi32>], vector<16xf32>,
    %sub3A_237 = arith.subf %gather3A_231, %gather3A_236 : vector<16xf32>
    %abs3A_238 = math.absf %sub3A_237 : vector<16xf32>
    %mul3A_239 = arith.mulf %get3A_226, %abs3A_238 : vector<16xf32>
    %add3A_240 = arith.addf %add3A_224, %mul3A_239 : vector<16xf32>
    %select_n3A = arith.select %lt3A_5, %add3A_240, %broadcast_in_dim3A_26 : vector<16xf32>
    %add3A_241 = arith.addf %select_n3A, %parallel_loop3A_110#0 : vector<16xf32>
    %add3A_242 = arith.addf %add3A_241, %parallel_loop3A_110#1 : vector<16xf32>
    %add3A_243 = arith.addf %add3A_242, %parallel_loop3A_110#2 : vector<16xf32>
    %add3A_244 = arith.addf %add3A_243, %parallel_loop3A_110#3 : vector<16xf32>
    %swap3A = arith.constant 0 : index
    %swap3A_245 = tpu.vector_load %arg13[%swap3A] {strides = array<i32>} : memref<16xf32, #tpu.memory_space<vmem>>, vector<16xf32>,
    tpu.vector_store %arg13[%swap3A], %add3A_244 {strides = array<i32>} : memref<16xf32, #tpu.memory_space<vmem>>, vector<16xf32>,
    "tpu.region"() ({
      %run_scoped3A = tpu.sem_alloc : memref<!tpu.dma_semaphore, #tpu.memory_space<semaphore_mem>>
      %dma_start3A_246 = arith.constant 0 : i32
      %dma_start3A_247 = tpu.memref_slice %arg5[%add3A, %dma_start3A_246] : memref<32x16xf32, #tpu.memory_space<hbm>> -> memref<1x16xf32, #tpu.memory_space<hbm>>
      %dma_start3A_248 = tpu.memref_squeeze %dma_start3A_247 : memref<1x16xf32, #tpu.memory_space<hbm>> -> memref<16xf32, #tpu.memory_space<hbm>>
      %dma_start3A_249 = arith.constant 0 : i32
      %dma_start3A_250 = tpu.memref_slice %arg5[%add3A, %dma_start3A_249] : memref<32x16xf32, #tpu.memory_space<hbm>> -> memref<1x16xf32, #tpu.memory_space<hbm>>
      %dma_start3A_251 = tpu.memref_squeeze %dma_start3A_250 : memref<1x16xf32, #tpu.memory_space<hbm>> -> memref<16xf32, #tpu.memory_space<hbm>>
      tpu.enqueue_dma source(%arg13 : memref<16xf32, #tpu.memory_space<vmem>>) target(%dma_start3A_251 : memref<16xf32, #tpu.memory_space<hbm>>) target_semaphore(%run_scoped3A : memref<!tpu.dma_semaphore, #tpu.memory_space<semaphore_mem>>)
      %dma_wait3A_252 = arith.constant 0 : i32
      %dma_wait3A_253 = tpu.memref_slice %arg5[%add3A, %dma_wait3A_252] : memref<32x16xf32, #tpu.memory_space<hbm>> -> memref<1x16xf32, #tpu.memory_space<hbm>>
      %dma_wait3A_254 = tpu.memref_squeeze %dma_wait3A_253 : memref<1x16xf32, #tpu.memory_space<hbm>> -> memref<16xf32, #tpu.memory_space<hbm>>
      %dma_wait3A_255 = arith.constant 0 : i32
      %dma_wait3A_256 = tpu.memref_slice %arg5[%add3A, %dma_wait3A_255] : memref<32x16xf32, #tpu.memory_space<hbm>> -> memref<1x16xf32, #tpu.memory_space<hbm>>
      %dma_wait3A_257 = tpu.memref_squeeze %dma_wait3A_256 : memref<1x16xf32, #tpu.memory_space<hbm>> -> memref<16xf32, #tpu.memory_space<hbm>>
      tpu.wait_dma2 semaphore(%run_scoped3A : memref<!tpu.dma_semaphore, #tpu.memory_space<semaphore_mem>>) src(%arg13 : memref<16xf32, #tpu.memory_space<vmem>>) dst(%dma_wait3A_257 : memref<16xf32, #tpu.memory_space<hbm>>)
      tpu.yield
    }) : () -> ()
    return
  }
}

</mosaic_0001>

<sc_bundles>
// kernel: kernel.3.cloned.1.call-start
scs
__scs_entry_jumppad:
0x0: {  	(pc) =	sbr.rel $0x88, $3  }
0x1: {  	(tag) =	ssettag $0x0;
	lr =	simm.s32 $0x1  }
0x2: {  	[smem:$0x3F9E] =	sst lr;
	_ =	strace $0xD0000000  }
0x3: {  	_ = 	snop  }
0x4: {  	_ = 	snop  }
0x5: {  	_ = 	snop  }
0x6: {  	_ = 	snop  }
0x7: {  	_ = 	snop  }
__scs_overlays_trampoline_lowered:
0x8: {  	[smem:$0x3FAD] =	sst s0  }
0x9: {  	[smem:$0x3FAE] =	sst s1  }
0xa: {  	[smem:$0x3FAF] =	sst s2  }
0xb: {  	[smem:$0x3FB0] =	sst s3  }
0xc: {  	[smem:$0x3FB1] =	sst s4  }
0xd: {  	[smem:$0x3FB2] =	sst s5  }
0xe: {  	[smem:$0x3FB3] =	sst s6  }
0xf: {  	[smem:$0x3FB4] =	sst s7  }
0x10: {  	[smem:$0x3FB5] =	sst s8  }
0x11: {  	[smem:$0x3FB6] =	sst s9;
	s0 =	simm.s32 @!p0 $0x0  }
0x12: {  	s1 =	sld [smem:$0x3F9C];
	s0 =	simm.s32 @p0 $0x1  }
0x13: {  	[smem:$0x3FB7] =	sst s0;
	s0 =	simm.s32 @!p1 $0x0  }
0x14: {  	s2 =	sld [smem:$0x3F9B];
	s0 =	simm.s32 @p1 $0x1  }
0x15: {  	[smem:$0x3FB8] =	sst s0;
	s0 =	simm.s32 @!p2 $0x0  }
0x16: {  	s3 =	sld [smem:$0x3FDB];
	s0 =	simm.s32 @p2 $0x1  }
0x17: {  	s4 =	simm.s32 $0x1BF5;
	[smem:$0x3FBA] =	sst s0  }
0x18: {  	s0 =	sld [smem:$0x3F9D];
	_ =	swait.ge [sflag:s4], $0x0  }
0x19: {  	s7 =	sld [smem:$0x3F9E]  }
0x1a: {  	s8 =	sadd.s32 $0xFFFFE003, lr  }
0x1b: {  	s9 =	sadd.s32 $0xFFFFFEF7, lr;
	s5 =	simm.s32 $0xFFFFFFFF;
	p2 =	slt.u32 s8, $0xFFFFF086  }
0x1c: {  	p1 =	slt.u32 s9, $0xF7A;
	s5 =	simm.s32 @!p2 $0x0  }
0x1d: {  	s5 =	simm.s32 @p1 $0x1;
	p0 =	seq.s32 s7, s2  }
0x1e: {  	s7 =	smul.u32 @!p0 $0xF7A, s2;
	p2 =	seq.s32 @!p0 s5, $0x0  }
0x1f: {  	s9 =	smul.u32 $0xF7A, s1;
	s8 =	simm.s32 @!p0 $0x1BF5;
	p2 =	por !p2, p0  }
0x20: {  	[sflag:s8] =	ssyncset.s32 @!p0 $0xFFFFF086;
	s6 =	sadd.s32 @!p0 s3, s7;
	s7 =	simm.s32 @!p0 $0x108  }
0x21: {  	s3 =	sadd.s32 s3, s9;
	s6 =	sadd.s32 @!p0 $0x88, s6;
	s7 =	simm.s32 @p2 $0x1082  }
0x22: {  	[simem:s7], [sflag:s8] =	dma.local @!p0 [hbm:s6], $0xF7A  }
0x23: {  	s9 =	sor.u32 $0xD0000000, s2;
	s6 =	simm.s32 $0x108;
	_ =	swait.ge @!p0 [sflag:s8], $0x0  }
0x24: {  	s3 =	sadd.s32 $0x88, s3;
	s6 =	simm.s32 @!p1 $0x1082;
	[sflag:s4] =	ssyncset.s32 $0xFFFFF086  }
0x25: {  	[simem:s6], [sflag:s4] =	dma.local [hbm:s3], $0xF7A  }
0x26: {  	[smem:$0x3F9E] =	sst s1;
	(tag) =	ssettag s2;
	_ =	strace s9  }
0x27: {  	s1 =	sld [smem:$0x3FAE]  }
0x28: {  	s2 =	sld [smem:$0x3FAF]  }
0x29: {  	s4 =	sld [smem:$0x3FB1]  }
0x2a: {  	p0 =	seq.s32 s5, $0x0;
	s5 =	sld [smem:$0x3FB2]  }
0x2b: {  	s6 =	sld [smem:$0x3FB3]  }
0x2c: {  	s7 =	sld [smem:$0x3FB4]  }
0x2d: {  	s3 =	simm.s32 $0x108;
	s8 =	sld [smem:$0x3FB5]  }
0x2e: {  	s3 =	simm.s32 @!p0 $0x1082;
	s9 =	sld [smem:$0x3FB6]  }
0x2f: {  	lr =	sadd.s32 s0, s3;
	s0 =	sld [smem:$0x3FAD]  }
0x30: {  	s3 =	sld [smem:$0x3FB0]  }
0x31: {  	[smem:$0x3FB9] =	sst s10  }
0x32: {  	s10 =	sld [smem:$0x3FB7];
	_ =	sdelay $0x3  }
0x33: {  	p0 =	seq.s32 s10, $0x1;
	s10 =	sld [smem:$0x3FB9];
	_ =	sdelay $0x3  }
0x34: {  	[smem:$0x3FB9] =	sst s10  }
0x35: {  	s10 =	sld [smem:$0x3FB8];
	_ =	sdelay $0x3  }
0x36: {  	p1 =	seq.s32 s10, $0x1;
	s10 =	sld [smem:$0x3FB9];
	_ =	sdelay $0x3  }
0x37: {  	[smem:$0x3FB9] =	sst s10  }
0x38: {  	s10 =	sld [smem:$0x3FBA]  }
0x39: {  	_ = 	snop;
	(pc) =	sbr.ind lr, $3  }
0x3a: {  	_ = 	snop  }
0x3b: {  	_ = 	snop  }
0x3c: {  	p2 =	seq.s32 s10, $0x1;
	s10 =	sld [smem:$0x3FB9]  }
0x3d: {  	_ =	shalt  }
0x3e: {  	_ =	shalt  }
0x3f: {  	_ =	shalt  }
0x40: {  	_ =	shalt  }
0x41: {  	_ =	shalt  }
0x42: {  	_ =	shalt  }
0x43: {  	_ =	shalt  }
0x44: {  	_ =	shalt  }
0x45: {  	_ =	shalt  }
0x46: {  	_ =	shalt  }
0x47: {  	_ =	shalt  }
0x48: {  	_ =	shalt  }
0x49: {  	_ =	shalt  }
0x4a: {  	_ =	shalt  }
0x4b: {  	_ =	shalt  }
0x4c: {  	_ =	shalt  }
0x4d: {  	_ =	shalt  }
0x4e: {  	_ =	shalt  }
0x4f: {  	_ =	shalt  }
0x50: {  	_ =	shalt  }
0x51: {  	_ =	shalt  }
0x52: {  	_ =	shalt  }
0x53: {  	_ =	shalt  }
0x54: {  	_ =	shalt  }
0x55: {  	_ =	shalt  }
0x56: {  	_ =	shalt  }
0x57: {  	_ =	shalt  }
0x58: {  	_ =	shalt  }
0x59: {  	_ =	shalt  }
0x5a: {  	_ =	shalt  }
0x5b: {  	_ =	shalt  }
0x5c: {  	_ =	shalt  }
0x5d: {  	_ =	shalt  }
0x5e: {  	_ =	shalt  }
0x5f: {  	_ =	shalt  }
0x60: {  	_ =	shalt  }
0x61: {  	_ =	shalt  }
0x62: {  	_ =	shalt  }
0x63: {  	_ =	shalt  }
0x64: {  	_ =	shalt  }
0x65: {  	_ =	shalt  }
0x66: {  	_ =	shalt  }
0x67: {  	_ =	shalt  }
0x68: {  	_ =	shalt  }
0x69: {  	_ =	shalt  }
0x6a: {  	_ =	shalt  }
0x6b: {  	_ =	shalt  }
0x6c: {  	_ =	shalt  }
0x6d: {  	_ =	shalt  }
0x6e: {  	_ =	shalt  }
0x6f: {  	_ =	shalt  }
0x70: {  	_ =	shalt  }
0x71: {  	_ =	shalt  }
0x72: {  	_ =	shalt  }
0x73: {  	_ =	shalt  }
0x74: {  	_ =	shalt  }
0x75: {  	_ =	shalt  }
0x76: {  	_ =	shalt  }
0x77: {  	_ =	shalt  }
0x78: {  	_ =	shalt  }
0x79: {  	_ =	shalt  }
0x7a: {  	_ =	shalt  }
0x7b: {  	_ =	shalt  }
0x7c: {  	_ =	shalt  }
0x7d: {  	_ =	shalt  }
0x7e: {  	_ =	shalt  }
0x7f: {  	_ =	shalt  }
0x80: {  	_ =	shalt  }
0x81: {  	_ =	shalt  }
0x82: {  	_ =	shalt  }
0x83: {  	_ =	shalt  }
0x84: {  	_ =	shalt  }
0x85: {  	_ =	shalt  }
0x86: {  	_ =	shalt  }
0x87: {  	_ =	shalt  }
.Lfunc_end0:
.L_simem_size_0:
called_computation_lowered:
.L_overlay_start_0:
0x88: {  	s2 =	sld [smem:$0x3FD9]  }
0x89: {  	s3 =	sld [smem:$0x3FFE];
	_ =	sdelay $0x1  }
0x8a: {  	s1 =	srdreg.scid  }
0x8b: {  	s0 =	sand.u32 $0x1, s1  }
0x8c: {  	s17 =	sshll.u32 s0, $0xA;
	s2 =	sadd.s32 s3, s2  }
0x8d: {  	s2 =	sadd.s32 s2, s17  }
0x8e: {  	[smem:$0x3FC5] =	sst s2  }
0x8f: {  	_ = 	snop  }
0x90: {  	s2 =	sld [smem:$0x3FC9]  }
0x91: {  	s18 =	sld [smem:$0x3FC8]  }
0x92: {  	s4 =	sld [smem:$0x3FC7];
	(tm) =	ssettm $0x1  }
0x93: {  	s5 =	sld [smem:$0x3FFB];
	_ =	sdelay $0x3  }
0x94: {  	_ =	strace s5  }
0x95: {  	s5 =	sld [smem:$0x3FFC];
	_ =	sdelay $0x3  }
0x96: {  	_ =	strace s5  }
0x97: {  	s5 =	sld [smem:$0x3FFD];
	_ =	sdelay $0x3  }
0x98: {  	_ =	strace s5  }
0x99: {  	_ =	strace $0x8FFFFFFF  }
0x9a: {  	s19 =	sld [smem:$0x3FDB];
	_ =	sdelay $0x1  }
0x9b: {  	s6 =	simm.s32 $_scs_section_size  }
0x9c: {  	s7 =	simm.s32 $_size__tile_overlayer_lowered;
	s8 =	simm.s32 $_tile_overlayer_lowered  }
0x9d: {  	s22 =	simm.s32 $0x1BFF;
	s21 =	sshll.u32 s8, $0x1;
	s5 =	sadd.s32 s6, s19  }
0x9e: {  	s9 =	simm.s32 $0x0;
	s20 =	sshll.u32 s7, $0x1;
	s7 =	sadd.s32 s21, s5  }
0x9f: {  	[timem:s9], [sflag:s22] =	dma.local [hbm:s7], s20  }
0xa0: {  	_ =	swait.ge [sflag:s22], s20  }
0xa1: {  	s6 =	ssub.s32 $0x0, s20;
	[sflag:s22] =	ssyncset.done $0x0  }
0xa2: {  	[sflag:s22] =	ssyncadd.s32 s6;
	_ =	sdelay $0x1  }
0xa3: {  	s23 =	simm.s32 $0x1B8B  }
0xa4: {  	_ =	swait.ge [sflag:s23], $0x1  }
0xa5: {  	[sflag:s23] =	ssyncset.done $0x0  }
0xa6: {  	s25 =	simm.s32 $0x1B8E;
	s24 =	sld [smem:$0x3FFE];
	[sflag:s23] =	ssyncadd.s32 $0xFFFFFFFF  }
0xa7: {  	s26 =	simm.s32 $execute0_lowered;
	[smem:$0x3FD2] =	sst s25  }
0xa8: {  	s7 =	sshll.u32 s26, $0x1;
	_ =	strace $0x80000046;
	[dreg:$0x1] =	wrdreg $0xFFFFFFFF  }
0xa9: {  	s28 =	simm.s32 $_size_execute0_lowered;
	s5 =	sadd.s32 s5, s7;
	[dreg:$0x0] =	wrdreg $0x0  }
0xaa: {  	s7 =	sshll.u32 s28, $0x1;
	[dreg:$0x2] =	wrdreg s5  }
0xab: {  	[dreg:$0x3] =	wrdreg s7  }
0xac: {  	[dreg:$0x4] =	wrdreg $0xC0  }
0xad: {  	_ =	task [dreg:s9], $0x5FFFF  }
0xae: {  	[dreg:$0x1] =	wrdreg $0xFFFFFFFF  }
0xaf: {  	[dreg:$0x0] =	wrdreg $0x60  }
0xb0: {  	[dreg:$0x2] =	wrdreg s2  }
0xb1: {  	[dreg:$0x3] =	wrdreg s18  }
0xb2: {  	[dreg:$0x4] =	wrdreg s4  }
0xb3: {  	[dreg:$0x5] =	wrdreg s24  }
0xb4: {  	[dreg:$0x6] =	wrdreg $0x9  }
0xb5: {  	_ =	task.clear_ibuf [dreg:s9], $0x7FFFF;
	_ =	strace $0x90000046  }
0xb6: {  	s29 =	simm.s32 $0x9;
	_ =	strace $0x80000048  }
0xb7: {  	_ =	swait.ge [sflag:s29], $0x1  }
0xb8: {  	[sflag:s29] =	ssyncadd.s32 $0xFFFFFFFF  }
0xb9: {  	_ =	strace $0x90000048  }
0xba: {  	_ =	sfence  }
0xbb: {  	s30 =	sld [smem:$0x0];
	_ =	sdelay $0x2  }
0xbc: {  	s31 =	sshll.u32 s1, $0xD;
	s1 =	sshrl.u32 s1, $0x2  }
0xbd: {  	s3 =	sand.u32 $0x4000, s31;
	s1 =	sadd.s32 s1, s30  }
0xbe: {  	s0 =	sor.u32 s3, s0;
	s1 =	sshll.u32 s1, $0x11  }
0xbf: {  	s0 =	sor.u32 s1, s0  }
0xc0: {  	s0 =	sadd.s32 $0x8F2B, s0  }
0xc1: {  	[sflag:s0] =	ssyncadd.remote.s32 $0x1  }
0xc2: {  	_ =	sfence.sel $0xFFFF  }
0xc3: {  	[dreg:$0x0] =	wrdreg $0xFFFFFFFF;
	(pc) =	sbr.abs _section_cstart, $3  }
0xc4: {  	[dreg:$0x1] =	wrdreg $0xFFFFFFFF  }
0xc5: {  	_ =	task.clear_ibuf [dreg:s9], $0x2FFFF;
	_ =	strace $0x9FFFFFFF  }
0xc6: {  	(tm) =	ssettm $0x7FFFFFFF  }
0xc7: {  	_ =	shalt  }
tec
execute0_lowered:
.L_overlay_start_1:
0x0: {  	(tag) =	ssettag $0x1  }
0x1: {  	s0 =	srdreg.scid;
	s1 =	rddreg [dreg:$0x1]  }
0x2: {  	s19 =	stileid.u32;
	s15 =	rddreg [dreg:$0x2]  }
0x3: {  	s16 =	rddreg [dreg:$0x3];
	s3 =	simm.s32 $0x0;
	s28 =	simm.s32 $0x4  }
0x4: {  	s30 =	simm.s32 $0x5;
	s0 =	sand.u32 $0x1, s0;
	s2 =	sshll.u32 s19, $0x1  }
0x5: {  	s31 =	simm.s32 $0x0;
	[smem:$0x7FF] =	sst s3;
	s2 =	sor.u32 s0, s2  }
0x6: {  	p0 =	slt.u32 s19, $0xA;
	s0 =	ssub.s32 $0x2, s0;
	s4 =	smul.u32 $0x186, s2  }
0x7: {  	_ =	strace $0x80000047;
	s5 =	smin.u32 s2, $0x14;
	s12 =	sshrl.u32 s0, $0x1  }
0x8: {  	s2 =	sshll.u32 s2, $0x4;
	s0 =	ssub.s32 s0, s12;
	s5 =	sadd.s32 s5, s4  }
0x9: {  	s16 =	sadd.s32 s16, s2;
	s14 =	sshll.u32 s5, $0x7;
	s13 =	sshll.u32 s5, $0x5  }
0xa: {  	s5 =	sshll.u32 s5, $0x4;
	s6 =	smin.u32 s14, $0x17A680;
	s4 =	sadd.s32 s1, s13  }
0xb: {  	s17 =	sadd.s32 s15, s5;
	s21 =	sadd.s32 $0x2700, s14;
	s11 =	sadd.s32 $0x4E00, s14  }
0xc: {  	s12 =	sadd.s32 $0x7500, s14;
	s14 =	sadd.s32 $0x9C00, s14;
	[dreg:$0x5] =	wrdreg s4  }
0xd: {  	s6 =	sadd.s32 $0xC300, s6;
	[dreg:$0x6] =	wrdreg s17;
	s9 =	sshrl.u32 s21, $0x2  }
0xe: {  	s10 =	sshrl.u32 s21, $0x3;
	s24 =	sshrl.u32 s11, $0x2;
	s11 =	sshrl.u32 s11, $0x3  }
0xf: {  	s13 =	sshrl.u32 s12, $0x2;
	s17 =	sshrl.u32 s12, $0x3;
	s29 =	sshrl.u32 s14, $0x2  }
0x10: {  	s21 =	simm.s32 $0x1;
	s7 =	sshrl.u32 s6, $0x2;
	s8 =	sshrl.u32 s6, $0x3  }
0x11: {  	s22 =	sadd.s32 s1, s9;
	s23 =	sadd.s32 s15, s10;
	s25 =	sadd.s32 s1, s24  }
0x12: {  	s26 =	sadd.s32 s15, s11;
	s12 =	sadd.s32 s1, s13;
	[dreg:$0x9] =	wrdreg s22  }
0x13: {  	s13 =	sadd.s32 s15, s17;
	s17 =	smax.u32 s0, $0x1;
	[dreg:$0xa] =	wrdreg s23  }
0x14: {  	s24 =	simm.s32 $0x2;
	s18 =	sadd.s32 s1, s7;
	[dreg:$0xb] =	wrdreg s25  }
0x15: {  	s20 =	sadd.s32 s15, s8;
	[dreg:$0xc] =	wrdreg s26;
	s22 =	simm.s32 $0x11180  }
0x16: {  	s23 =	simm.s32 $0x18680;
	s25 =	simm.s32 $0x15F80;
	[dreg:$0x7] =	wrdreg s18  }
0x17: {  	s26 =	simm.s32 $0x3;
	[dreg:$0x8] =	wrdreg s20;
	s18 =	sshrl.u32 s14, $0x3  }
0x18: {  	s14 =	sadd.s32 s1, s29;
	s15 =	sadd.s32 s15, s18;
	s18 =	simm.s32 $0xC380  }
.LBB2_1:
0x19: {  	s0 =	rddreg [dreg:$0x0]  }
0x1a: {  	[tilespmem:s3], [sflag:$0x1] =	stream.linear.gather [hbm4b:s0+s3], $0xC380, $0x38;
	[tilespmem:$0x1AF80] =	vst v63  }
0x1b: {  	s9 =	rddreg [dreg:$0x5]  }
0x1c: {  	[tilespmem:s18], [sflag:$0x2] =	stream.linear.gather [hbm4b:s9+s3], $0x4E00, $0x38;
	[tilespmem:$0x1AF80] =	vst v63  }
0x1d: {  	s10 =	rddreg [dreg:$0x6]  }
0x1e: {  	[tilespmem:s25], [sflag:$0x2] =	stream.linear.gather [hbm4b:s10+s3], $0x2700, $0x38;
	[tilespmem:$0x1AF80] =	vst v63  }
0x1f: {  	s11 =	rddreg [dreg:$0x7];
	s1 =	simm.s32 $0x1AD80  }
0x20: {  	[tilespmem:s1], [sflag:$0x4] =	stream.linear.gather [hbm4b:s11+s3], $0x100, $0x38;
	[tilespmem:$0x1AF80] =	vst v63  }
0x21: {  	s19 =	rddreg [dreg:$0x8];
	s20 =	simm.s32 $0x1AE80  }
0x22: {  	[tilespmem:s20], [sflag:$0x4] =	stream.linear.gather [hbm4b:s19+s3], $0x80, $0x38;
	[tilespmem:$0x1AF80] =	vst v63  }
0x23: {  	_ =	swait.ge [sflag:s21], $0xC380  }
0x24: {  	[sflag:s21] =	ssyncset.done $0x0  }
0x25: {  	s2 =	rddreg [dreg:$0x9];
	[sflag:s21] =	ssyncadd.s32 $0xFFFF3C80  }
0x26: {  	[tilespmem:s22], [sflag:$0x3] =	stream.linear.gather [hbm4b:s2+s3], $0x4E00, $0x38;
	[tilespmem:$0x1AF80] =	vst v63  }
0x27: {  	s4 =	rddreg [dreg:$0xa]  }
0x28: {  	[tilespmem:s23], [sflag:$0x3] =	stream.linear.gather [hbm4b:s4+s3], $0x2700, $0x38;
	[tilespmem:$0x1AF80] =	vst v63  }
0x29: {  	_ =	swait.ge [sflag:s24], $0x4E00  }
0x2a: {  	p1 =	por $0x0, $0x0;
	s0 =	simm.s32 $0x1;
	[sflag:s24] =	ssyncset.done $0x0  }
0x2b: {  	s0 =	simm.s32 @!p1 $0x0;
	[sflag:s24] =	ssyncadd.s32 $0xFFFFB200  }
0x2c: {  	s5 =	sand.u32 $0x40, s3;
	s0 =	sshll.u32 s0, $0x6;
	_ =	swait.ge [sflag:s24], $0x2700  }
0x2d: {  	s0 =	sadd.s32 $0x0, s0;
	s2 =	sand.u32 $0x7F00, s3;
	[sflag:s24] =	ssyncset.done $0x0  }
0x2e: {  	s19 =	sor.u32 $0x30, s5;
	s2 =	sadd.s32 $0xC380, s2;
	[sflag:s24] =	ssyncadd.s32 $0xFFFFD900  }
0x2f: {  	s29 =	sadd.s32 $0x30, s0;
	s20 =	sor.u32 s19, s2;
	v1 =	vld [tilespmem:s25+$0x0]  }
0x30: {  	s6 =	sor.u32 $0x80, s29;
	s4 =	sadd.s32 $0x10, s0;
	v2 =	vld [tilespmem:s20+$0x0]  }
0x31: {  	s29 =	sadd.s32 $0x20, s0;
	s4 =	sor.u32 $0x80, s4;
	v3 =	vld [tilespmem:s6+$0xC380]  }
0x32: {  	s7 =	sor.u32 $0x80, s29;
	v4 =	vld [tilespmem:s4+$0xC380]  }
0x33: {  	s0 =	sor.u32 $0x80, s0;
	v5 =	vld [tilespmem:s7+$0xC380]  }
0x34: {  	s8 =	sor.u32 $0x10, s5;
	s9 =	sor.u32 s5, s2;
	v8 =	vld [tilespmem:s0+$0xC380]  }
0x35: {  	s10 =	sor.u32 $0x20, s5;
	s11 =	sor.u32 s8, s2;
	v10 =	vld [tilespmem:s9+$0x0];
	s20 =	sand.u32 $0x3F80, s3  }
0x36: {  	s2 =	sor.u32 s10, s2;
	v13 =	vld [tilespmem:s11+$0x0];
	s1 =	sadd.s32 $0x15F80, s20  }
0x37: {  	v0 =	vld [tilespmem:s2+$0x0];
	s19 =	sor.u32 s19, s1  }
0x38: {  	v9 =	vld [tilespmem:s19+$0x0]  }
0x39: {  	v12 =	vld.idx.msk [tilespmem:v2+s3+$0x0], $0xffff  }
0x3a: {  	v3 =	vld.idx.msk [tilespmem:v3+s3+$0x0], $0xffff  }
0x3b: {  	v7 =	vld.idx.msk [tilespmem:v4+s3+$0x0], $0xffff  }
0x3c: {  	v6 =	vld.idx.msk [tilespmem:v5+s3+$0x0], $0xffff  }
0x3d: {  	p1 =	por !p1, !p1;
	v8 =	vld.idx.msk [tilespmem:v8+s3+$0x0], $0xffff  }
0x3e: {  	s2 =	simm.s32 $0x0;
	s0 =	simm.s32 $0x15FC0;
	s29 =	sor.u32 s8, s1;
	v2 =	vimm.f32 $0.0e+00;
	v11 =	vld.idx.msk [tilespmem:v10+s3+$0x0], $0xffff;
	v4 =	vimm.f32 $0.0e+00  }
0x3f: {  	s20 =	sor.u32 s10, s1;
	s1 =	simm.s32 $0x80;
	s19 =	simm.s32 $0x40;
	v10 =	vld.idx.msk [tilespmem:v13+s3+$0x0], $0xffff;
	v5 =	vimm.f32 $0.0e+00;
	v12 =	vsub.f32 v12, v3;
	v3 =	vimm.f32 $0.0e+00  }
.LBB2_2:
0x40: {  	s4 =	simm.s32 $0x1  }
0x41: {  	s5 =	sand.u32 $0x40, s19;
	s2 =	sadd.s32 $0x4, s2;
	v0 =	vld.idx.msk [tilespmem:v0+s3+$0x0], $0xffff;
	s4 =	simm.s32 @!p1 $0x0  }
0x42: {  	s6 =	sand.u32 $0x7F00, s1;
	p2 =	slt.u32 s2, $0x26C;
	v12 =	vand.u32 $0x7FFFFFFF, v12;
	s4 =	sshll.u32 s4, $0x6;
	v13 =	vld [tilespmem:s29+$0x0]  }
0x43: {  	s6 =	sadd.s32 $0xC380, s6;
	s7 =	sor.u32 $0x30, s5;
	v9 =	vmul.f32 v12, v9;
	s4 =	sadd.s32 s4, s1;
	v14 =	vld [tilespmem:s20+$0x0]  }
0x44: {  	s29 =	sor.u32 s7, s6;
	v12 =	vld [tilespmem:s0+$0x0];
	s20 =	sadd.s32 $0x10, s4;
	s8 =	sadd.s32 $0x30, s4  }
0x45: {  	s9 =	sor.u32 $0x10, s5;
	v8 =	vsub.f32 v11, v8;
	s10 =	sadd.s32 $0x20, s4;
	v2 =	vadd.f32 v9, v2;
	v15 =	vld [tilespmem:s29+$0x0];
	s8 =	sor.u32 $0x80, s8  }
0x46: {  	s11 =	sor.u32 $0x20, s5;
	v7 =	vsub.f32 v10, v7;
	s20 =	sor.u32 $0x80, s20;
	s10 =	sor.u32 $0x80, s10;
	v9 =	vld [tilespmem:s8+$0xC380]  }
0x47: {  	s5 =	sor.u32 s5, s6;
	s4 =	sor.u32 $0x80, s4;
	v8 =	vand.u32 $0x7FFFFFFF, v8;
	v0 =	vsub.f32 v0, v6;
	s8 =	sor.u32 s9, s6;
	v10 =	vld [tilespmem:s20+$0xC380]  }
0x48: {  	s6 =	sor.u32 s11, s6;
	v8 =	vmul.f32 v8, v1;
	v16 =	vand.u32 $0x7FFFFFFF, v7;
	v6 =	vld [tilespmem:s10+$0xC380]  }
0x49: {  	v7 =	vmul.f32 v16, v13;
	v0 =	vand.u32 $0x7FFFFFFF, v0;
	v11 =	vld [tilespmem:s4+$0xC380];
	v1 =	vmov v12  }
0x4a: {  	v3 =	vadd.f32 v8, v3;
	v8 =	vmul.f32 v0, v14;
	v12 =	vld [tilespmem:s5+$0x0]  }
0x4b: {  	v4 =	vadd.f32 v7, v4;
	v13 =	vld [tilespmem:s8+$0x0]  }
0x4c: {  	v5 =	vadd.f32 v8, v5;
	v0 =	vld [tilespmem:s6+$0x0]  }
0x4d: {  	v14 =	vld.idx.msk [tilespmem:v15+s3+$0x0], $0xffff  }
0x4e: {  	v15 =	vld.idx.msk [tilespmem:v9+s3+$0x0], $0xffff  }
0x4f: {  	s4 =	sand.u32 $0x3F80, s19;
	v7 =	vld.idx.msk [tilespmem:v10+s3+$0x0], $0xffff  }
.Ltmp0:
0x50: {  	s4 =	sadd.s32 $0x15F80, s4;
	v6 =	vld.idx.msk [tilespmem:v6+s3+$0x0], $0xffff;
	(pc) =	sbr.rel @p2 .LBB2_2-.Ltmp0, $4  }
0x51: {  	s29 =	sor.u32 s9, s4;
	s20 =	sor.u32 s11, s4;
	s4 =	sor.u32 s7, s4;
	v8 =	vld.idx.msk [tilespmem:v11+s3+$0x0], $0xffff  }
0x52: {  	v9 =	vld [tilespmem:s4+$0x0]  }
0x53: {  	s0 =	sadd.s32 $0x40, s0;
	v11 =	vld.idx.msk [tilespmem:v12+s3+$0x0], $0xffff  }
0x54: {  	p1 =	por !p1, !p1;
	s1 =	sadd.s32 $0x80, s1;
	s19 =	sadd.s32 $0x40, s19;
	v12 =	vsub.f32 v14, v15;
	v10 =	vld.idx.msk [tilespmem:v13+s3+$0x0], $0xffff  }
0x55: {  	_ =	sdelay $0x3  }
0x56: {  	v14 =	vld.idx.msk [tilespmem:v0+s3+$0x0], $0xffff  }
0x57: {  	v15 =	vld [tilespmem:s29+$0x0];
	s0 =	simm.s32 $0x0;
	s1 =	rddreg [dreg:$0xb]  }
0x58: {  	v16 =	vld [tilespmem:s20+$0x0];
	[tilespmem:s18], [sflag:$0x2] =	stream.linear.gather [hbm4b:s1+s0], $0x4E00, $0x38  }
0x59: {  	s10 =	rddreg [dreg:$0xc]  }
0x5a: {  	[tilespmem:s25], [sflag:$0x2] =	stream.linear.gather [hbm4b:s10+s0], $0x2700, $0x38;
	[tilespmem:$0x1AF80] =	vst v63  }
0x5b: {  	_ =	swait.ge [sflag:s26], $0x4E00  }
0x5c: {  	p1 =	por $0x0, $0x0;
	s2 =	simm.s32 $0x18680;
	[sflag:s26] =	ssyncset.done $0x0  }
0x5d: {  	s1 =	simm.s32 $0x1;
	s4 =	sand.u32 $0x40, s0;
	[sflag:s26] =	ssyncadd.s32 $0xFFFFB200  }
0x5e: {  	s5 =	sand.u32 $0x7F00, s0;
	s1 =	simm.s32 @!p1 $0x0;
	_ =	swait.ge [sflag:s26], $0x2700  }
0x5f: {  	s5 =	sadd.s32 $0x11180, s5;
	s1 =	sshll.u32 s1, $0x6;
	[sflag:s26] =	ssyncset.done $0x0  }
0x60: {  	s6 =	sor.u32 $0x30, s4;
	s1 =	sadd.s32 $0x0, s1;
	[sflag:s26] =	ssyncadd.s32 $0xFFFFD900  }
0x61: {  	s11 =	sor.u32 s6, s5;
	s7 =	sadd.s32 $0x30, s1;
	v0 =	vld [tilespmem:s2+$0x0]  }
0x62: {  	s8 =	sadd.s32 $0x10, s1;
	s19 =	sor.u32 $0x80, s7;
	v17 =	vld [tilespmem:s11+$0x0]  }
0x63: {  	s20 =	sadd.s32 $0x20, s1;
	s8 =	sor.u32 $0x80, s8;
	v18 =	vld [tilespmem:s19+$0x11180]  }
0x64: {  	s7 =	sor.u32 $0x80, s20;
	v19 =	vld [tilespmem:s8+$0x11180]  }
0x65: {  	v8 =	vsub.f32 v11, v8;
	s0 =	sand.u32 $0x3F80, s0;
	s1 =	sor.u32 $0x80, s1;
	v11 =	vsub.f32 v14, v6;
	v6 =	vand.u32 $0x7FFFFFFF, v12;
	v20 =	vld [tilespmem:s7+$0x11180]  }
0x66: {  	s9 =	sor.u32 s4, s5;
	s0 =	sadd.s32 $0x18680, s0;
	v9 =	vmul.f32 v6, v9;
	v21 =	vld [tilespmem:s1+$0x11180]  }
0x67: {  	s20 =	sor.u32 s6, s0;
	s8 =	sor.u32 $0x10, s4;
	v22 =	vld [tilespmem:s9+$0x0]  }
0x68: {  	s10 =	sor.u32 $0x20, s4;
	v2 =	vadd.f32 v9, v2;
	v9 =	vld [tilespmem:s20+$0x0];
	s11 =	sor.u32 s8, s5  }
0x69: {  	s19 =	sor.u32 s10, s5;
	v23 =	vld [tilespmem:s11+$0x0]  }
0x6a: {  	v13 =	vld [tilespmem:s19+$0x0]  }
0x6b: {  	v10 =	vsub.f32 v10, v7;
	v17 =	vld.idx.msk [tilespmem:v17+s3+$0x0], $0xffff  }
0x6c: {  	v18 =	vld.idx.msk [tilespmem:v18+s3+$0x0], $0xffff  }
0x6d: {  	v8 =	vand.u32 $0x7FFFFFFF, v8;
	v10 =	vand.u32 $0x7FFFFFFF, v10;
	v7 =	vld.idx.msk [tilespmem:v19+s3+$0x0], $0xffff  }
0x6e: {  	v1 =	vmul.f32 v8, v1;
	v10 =	vmul.f32 v10, v15;
	v11 =	vand.u32 $0x7FFFFFFF, v11;
	v6 =	vld.idx.msk [tilespmem:v20+s3+$0x0], $0xffff  }
0x6f: {  	p1 =	por !p1, !p1;
	v12 =	vmul.f32 v11, v16;
	v8 =	vld.idx.msk [tilespmem:v21+s3+$0x0], $0xffff  }
0x70: {  	v3 =	vadd.f32 v1, v3;
	v4 =	vadd.f32 v10, v4;
	s2 =	simm.s32 $0x0;
	s20 =	sor.u32 s10, s0;
	s1 =	simm.s32 $0x80;
	v11 =	vld.idx.msk [tilespmem:v22+s3+$0x0], $0xffff  }
0x71: {  	v5 =	vadd.f32 v12, v5;
	s29 =	sor.u32 s8, s0;
	s0 =	simm.s32 $0x186C0;
	s19 =	simm.s32 $0x40;
	v10 =	vld.idx.msk [tilespmem:v23+s3+$0x0], $0xffff;
	v12 =	vsub.f32 v17, v18  }
.LBB2_4:
0x72: {  	s4 =	simm.s32 $0x1  }
0x73: {  	s5 =	sand.u32 $0x40, s19;
	s2 =	sadd.s32 $0x4, s2;
	v1 =	vld.idx.msk [tilespmem:v13+s3+$0x0], $0xffff;
	s4 =	simm.s32 @!p1 $0x0  }
0x74: {  	s6 =	sand.u32 $0x7F00, s1;
	p2 =	slt.u32 s2, $0x26C;
	v12 =	vand.u32 $0x7FFFFFFF, v12;
	s4 =	sshll.u32 s4, $0x6;
	v13 =	vld [tilespmem:s29+$0x0]  }
0x75: {  	s6 =	sadd.s32 $0x11180, s6;
	s7 =	sor.u32 $0x30, s5;
	v9 =	vmul.f32 v12, v9;
	s4 =	sadd.s32 s4, s1;
	v14 =	vld [tilespmem:s20+$0x0]  }
0x76: {  	s9 =	sor.u32 s7, s6;
	v12 =	vld [tilespmem:s0+$0x0];
	s8 =	sadd.s32 $0x10, s4;
	s10 =	sadd.s32 $0x30, s4  }
0x77: {  	s11 =	sor.u32 $0x10, s5;
	v8 =	vsub.f32 v11, v8;
	s20 =	sadd.s32 $0x20, s4;
	v2 =	vadd.f32 v9, v2;
	v15 =	vld [tilespmem:s9+$0x0];
	s9 =	sor.u32 $0x80, s10  }
0x78: {  	v7 =	vsub.f32 v10, v7;
	s8 =	sor.u32 $0x80, s8;
	s10 =	sor.u32 $0x20, s5;
	s20 =	sor.u32 $0x80, s20;
	v9 =	vld [tilespmem:s9+$0x11180]  }
0x79: {  	s4 =	sor.u32 $0x80, s4;
	s5 =	sor.u32 s5, s6;
	v8 =	vand.u32 $0x7FFFFFFF, v8;
	v1 =	vsub.f32 v1, v6;
	s9 =	sor.u32 s11, s6;
	v10 =	vld [tilespmem:s8+$0x11180]  }
0x7a: {  	s6 =	sor.u32 s10, s6;
	v8 =	vmul.f32 v8, v0;
	v16 =	vand.u32 $0x7FFFFFFF, v7;
	v6 =	vld [tilespmem:s20+$0x11180]  }
0x7b: {  	v7 =	vmul.f32 v16, v13;
	v1 =	vand.u32 $0x7FFFFFFF, v1;
	v11 =	vld [tilespmem:s4+$0x11180];
	v0 =	vmov v12  }
0x7c: {  	v3 =	vadd.f32 v8, v3;
	v1 =	vmul.f32 v1, v14;
	v12 =	vld [tilespmem:s5+$0x0]  }
0x7d: {  	v4 =	vadd.f32 v7, v4;
	v14 =	vld [tilespmem:s9+$0x0]  }
0x7e: {  	v5 =	vadd.f32 v1, v5;
	v13 =	vld [tilespmem:s6+$0x0]  }
0x7f: {  	v1 =	vld.idx.msk [tilespmem:v15+s3+$0x0], $0xffff  }
0x80: {  	v15 =	vld.idx.msk [tilespmem:v9+s3+$0x0], $0xffff  }
0x81: {  	s4 =	sand.u32 $0x3F80, s19;
	v7 =	vld.idx.msk [tilespmem:v10+s3+$0x0], $0xffff  }
.Ltmp1:
0x82: {  	s4 =	sadd.s32 $0x18680, s4;
	v6 =	vld.idx.msk [tilespmem:v6+s3+$0x0], $0xffff;
	(pc) =	sbr.rel @p2 .LBB2_4-.Ltmp1, $4  }
0x83: {  	s29 =	sor.u32 s11, s4;
	s20 =	sor.u32 s10, s4;
	s4 =	sor.u32 s7, s4;
	v8 =	vld.idx.msk [tilespmem:v11+s3+$0x0], $0xffff  }
0x84: {  	v9 =	vld [tilespmem:s4+$0x0]  }
0x85: {  	s0 =	sadd.s32 $0x40, s0;
	v11 =	vld.idx.msk [tilespmem:v12+s3+$0x0], $0xffff  }
0x86: {  	p1 =	por !p1, !p1;
	s1 =	sadd.s32 $0x80, s1;
	s19 =	sadd.s32 $0x40, s19;
	v12 =	vsub.f32 v1, v15;
	v10 =	vld.idx.msk [tilespmem:v14+s3+$0x0], $0xffff  }
0x87: {  	_ =	sdelay $0x3  }
0x88: {  	v14 =	vld.idx.msk [tilespmem:v13+s3+$0x0], $0xffff  }
0x89: {  	v15 =	vld [tilespmem:s29+$0x0];
	s0 =	simm.s32 $0x0  }
0x8a: {  	v16 =	vld [tilespmem:s20+$0x0];
	[tilespmem:s22], [sflag:$0x3] =	stream.linear.gather [hbm4b:s12+s0], $0x4E00, $0x38  }
0x8b: {  	_ = 	snop  }
0x8c: {  	[tilespmem:s23], [sflag:$0x3] =	stream.linear.gather [hbm4b:s13+s0], $0x2700, $0x38;
	[tilespmem:$0x1AF80] =	vst v63  }
0x8d: {  	_ =	swait.ge [sflag:s24], $0x4E00  }
0x8e: {  	p1 =	por $0x0, $0x0;
	s1 =	simm.s32 $0x1;
	[sflag:s24] =	ssyncset.done $0x0  }
0x8f: {  	s2 =	simm.s32 $0x15F80;
	s1 =	simm.s32 @!p1 $0x0;
	[sflag:s24] =	ssyncadd.s32 $0xFFFFB200  }
0x90: {  	s4 =	sand.u32 $0x40, s0;
	s5 =	sand.u32 $0x7F00, s0;
	_ =	swait.ge [sflag:s24], $0x2700  }
0x91: {  	s1 =	sshll.u32 s1, $0x6;
	s5 =	sadd.s32 $0xC380, s5;
	[sflag:s24] =	ssyncset.done $0x0  }
0x92: {  	s6 =	sor.u32 $0x30, s4;
	s1 =	sadd.s32 $0x0, s1;
	[sflag:s24] =	ssyncadd.s32 $0xFFFFD900  }
0x93: {  	s11 =	sor.u32 s6, s5;
	s7 =	sadd.s32 $0x30, s1;
	v1 =	vld [tilespmem:s2+$0x0]  }
0x94: {  	s8 =	sadd.s32 $0x10, s1;
	s19 =	sor.u32 $0x80, s7;
	v17 =	vld [tilespmem:s11+$0x0]  }
0x95: {  	s20 =	sadd.s32 $0x20, s1;
	s8 =	sor.u32 $0x80, s8;
	v18 =	vld [tilespmem:s19+$0xC380]  }
0x96: {  	s7 =	sor.u32 $0x80, s20;
	v19 =	vld [tilespmem:s8+$0xC380]  }
0x97: {  	v8 =	vsub.f32 v11, v8;
	s0 =	sand.u32 $0x3F80, s0;
	s1 =	sor.u32 $0x80, s1;
	v11 =	vsub.f32 v14, v6;
	v6 =	vand.u32 $0x7FFFFFFF, v12;
	v20 =	vld [tilespmem:s7+$0xC380]  }
0x98: {  	s9 =	sor.u32 s4, s5;
	s0 =	sadd.s32 $0x15F80, s0;
	v9 =	vmul.f32 v6, v9;
	v21 =	vld [tilespmem:s1+$0xC380]  }
0x99: {  	v8 =	vand.u32 $0x7FFFFFFF, v8;
	s20 =	sor.u32 s6, s0;
	s8 =	sor.u32 $0x10, s4;
	v22 =	vld [tilespmem:s9+$0x0]  }
0x9a: {  	s10 =	sor.u32 $0x20, s4;
	v12 =	vmul.f32 v8, v0;
	v0 =	vadd.f32 v9, v2;
	v9 =	vld [tilespmem:s20+$0x0];
	s11 =	sor.u32 s8, s5  }
0x9b: {  	s19 =	sor.u32 s10, s5;
	v23 =	vld [tilespmem:s11+$0x0]  }
0x9c: {  	v13 =	vld [tilespmem:s19+$0x0]  }
0x9d: {  	v10 =	vsub.f32 v10, v7;
	v17 =	vld.idx.msk [tilespmem:v17+s3+$0x0], $0xffff  }
0x9e: {  	v18 =	vld.idx.msk [tilespmem:v18+s3+$0x0], $0xffff  }
0x9f: {  	v10 =	vand.u32 $0x7FFFFFFF, v10;
	v7 =	vld.idx.msk [tilespmem:v19+s3+$0x0], $0xffff  }
0xa0: {  	v10 =	vmul.f32 v10, v15;
	v11 =	vand.u32 $0x7FFFFFFF, v11;
	v6 =	vld.idx.msk [tilespmem:v20+s3+$0x0], $0xffff  }
0xa1: {  	p1 =	por !p1, !p1;
	v2 =	vmul.f32 v11, v16;
	v8 =	vld.idx.msk [tilespmem:v21+s3+$0x0], $0xffff  }
0xa2: {  	v3 =	vadd.f32 v12, v3;
	v4 =	vadd.f32 v10, v4;
	s2 =	simm.s32 $0x0;
	s20 =	sor.u32 s10, s0;
	s1 =	simm.s32 $0x80;
	v11 =	vld.idx.msk [tilespmem:v22+s3+$0x0], $0xffff  }
0xa3: {  	v5 =	vadd.f32 v2, v5;
	s29 =	sor.u32 s8, s0;
	s0 =	simm.s32 $0x15FC0;
	s19 =	simm.s32 $0x40;
	v10 =	vld.idx.msk [tilespmem:v23+s3+$0x0], $0xffff;
	v12 =	vsub.f32 v17, v18  }
.LBB2_6:
0xa4: {  	s4 =	simm.s32 $0x1  }
0xa5: {  	s5 =	sand.u32 $0x40, s19;
	s2 =	sadd.s32 $0x4, s2;
	v2 =	vld.idx.msk [tilespmem:v13+s3+$0x0], $0xffff;
	s4 =	simm.s32 @!p1 $0x0  }
0xa6: {  	s6 =	sand.u32 $0x7F00, s1;
	p2 =	slt.u32 s2, $0x26C;
	v12 =	vand.u32 $0x7FFFFFFF, v12;
	s4 =	sshll.u32 s4, $0x6;
	v13 =	vld [tilespmem:s29+$0x0]  }
0xa7: {  	s6 =	sadd.s32 $0xC380, s6;
	s7 =	sor.u32 $0x30, s5;
	v9 =	vmul.f32 v12, v9;
	s4 =	sadd.s32 s4, s1;
	v14 =	vld [tilespmem:s20+$0x0]  }
0xa8: {  	s9 =	sor.u32 s7, s6;
	v12 =	vld [tilespmem:s0+$0x0];
	s8 =	sadd.s32 $0x10, s4;
	s10 =	sadd.s32 $0x30, s4  }
0xa9: {  	s11 =	sor.u32 $0x10, s5;
	v8 =	vsub.f32 v11, v8;
	s20 =	sadd.s32 $0x20, s4;
	v0 =	vadd.f32 v9, v0;
	v15 =	vld [tilespmem:s9+$0x0];
	s9 =	sor.u32 $0x80, s10  }
0xaa: {  	v7 =	vsub.f32 v10, v7;
	s8 =	sor.u32 $0x80, s8;
	s10 =	sor.u32 $0x20, s5;
	s20 =	sor.u32 $0x80, s20;
	v9 =	vld [tilespmem:s9+$0xC380]  }
0xab: {  	s4 =	sor.u32 $0x80, s4;
	s5 =	sor.u32 s5, s6;
	v8 =	vand.u32 $0x7FFFFFFF, v8;
	v2 =	vsub.f32 v2, v6;
	s9 =	sor.u32 s11, s6;
	v10 =	vld [tilespmem:s8+$0xC380]  }
0xac: {  	s6 =	sor.u32 s10, s6;
	v8 =	vmul.f32 v8, v1;
	v16 =	vand.u32 $0x7FFFFFFF, v7;
	v6 =	vld [tilespmem:s20+$0xC380]  }
0xad: {  	v7 =	vmul.f32 v16, v13;
	v2 =	vand.u32 $0x7FFFFFFF, v2;
	v11 =	vld [tilespmem:s4+$0xC380];
	v1 =	vmov v12  }
0xae: {  	v3 =	vadd.f32 v8, v3;
	v2 =	vmul.f32 v2, v14;
	v12 =	vld [tilespmem:s5+$0x0]  }
0xaf: {  	v4 =	vadd.f32 v7, v4;
	v14 =	vld [tilespmem:s9+$0x0]  }
0xb0: {  	v5 =	vadd.f32 v2, v5;
	v13 =	vld [tilespmem:s6+$0x0]  }
0xb1: {  	v2 =	vld.idx.msk [tilespmem:v15+s3+$0x0], $0xffff  }
0xb2: {  	v15 =	vld.idx.msk [tilespmem:v9+s3+$0x0], $0xffff  }
0xb3: {  	s4 =	sand.u32 $0x3F80, s19;
	v7 =	vld.idx.msk [tilespmem:v10+s3+$0x0], $0xffff  }
.Ltmp2:
0xb4: {  	s4 =	sadd.s32 $0x15F80, s4;
	v6 =	vld.idx.msk [tilespmem:v6+s3+$0x0], $0xffff;
	(pc) =	sbr.rel @p2 .LBB2_6-.Ltmp2, $4  }
0xb5: {  	s29 =	sor.u32 s11, s4;
	s20 =	sor.u32 s10, s4;
	s4 =	sor.u32 s7, s4;
	v8 =	vld.idx.msk [tilespmem:v11+s3+$0x0], $0xffff  }
0xb6: {  	v9 =	vld [tilespmem:s4+$0x0]  }
0xb7: {  	s0 =	sadd.s32 $0x40, s0;
	v11 =	vld.idx.msk [tilespmem:v12+s3+$0x0], $0xffff  }
0xb8: {  	p1 =	por !p1, !p1;
	s1 =	sadd.s32 $0x80, s1;
	s19 =	sadd.s32 $0x40, s19;
	v12 =	vsub.f32 v2, v15;
	v10 =	vld.idx.msk [tilespmem:v14+s3+$0x0], $0xffff  }
0xb9: {  	_ =	sdelay $0x3  }
0xba: {  	v14 =	vld.idx.msk [tilespmem:v13+s3+$0x0], $0xffff  }
0xbb: {  	v15 =	vld [tilespmem:s29+$0x0];
	s0 =	simm.s32 $0x0  }
0xbc: {  	v16 =	vld [tilespmem:s20+$0x0];
	[tilespmem:s18], [sflag:$0x2] =	stream.linear.gather [hbm4b:s14+s0], $0x4E00, $0x38  }
0xbd: {  	_ = 	snop  }
0xbe: {  	[tilespmem:s25], [sflag:$0x2] =	stream.linear.gather [hbm4b:s15+s0], $0x2700, $0x38;
	[tilespmem:$0x1AF80] =	vst v63  }
0xbf: {  	_ =	swait.ge [sflag:s26], $0x4E00  }
0xc0: {  	p1 =	por $0x0, $0x0;
	s1 =	simm.s32 $0x1;
	[sflag:s26] =	ssyncset.done $0x0  }
0xc1: {  	s2 =	simm.s32 $0x18680;
	s1 =	simm.s32 @!p1 $0x0;
	[sflag:s26] =	ssyncadd.s32 $0xFFFFB200  }
0xc2: {  	s4 =	sand.u32 $0x40, s0;
	s5 =	sand.u32 $0x7F00, s0;
	_ =	swait.ge [sflag:s26], $0x2700  }
0xc3: {  	s1 =	sshll.u32 s1, $0x6;
	s5 =	sadd.s32 $0x11180, s5;
	[sflag:s26] =	ssyncset.done $0x0  }
0xc4: {  	s6 =	sor.u32 $0x30, s4;
	s1 =	sadd.s32 $0x0, s1;
	[sflag:s26] =	ssyncadd.s32 $0xFFFFD900  }
0xc5: {  	s11 =	sor.u32 s6, s5;
	s7 =	sadd.s32 $0x30, s1;
	v2 =	vld [tilespmem:s2+$0x0]  }
0xc6: {  	s8 =	sadd.s32 $0x10, s1;
	s19 =	sor.u32 $0x80, s7;
	v17 =	vld [tilespmem:s11+$0x0]  }
0xc7: {  	s20 =	sadd.s32 $0x20, s1;
	s8 =	sor.u32 $0x80, s8;
	v18 =	vld [tilespmem:s19+$0x11180]  }
0xc8: {  	s7 =	sor.u32 $0x80, s20;
	v19 =	vld [tilespmem:s8+$0x11180]  }
0xc9: {  	v11 =	vsub.f32 v11, v8;
	s0 =	sand.u32 $0x3F80, s0;
	s1 =	sor.u32 $0x80, s1;
	v7 =	vsub.f32 v10, v7;
	v10 =	vand.u32 $0x7FFFFFFF, v12;
	v20 =	vld [tilespmem:s7+$0x11180]  }
0xca: {  	s9 =	sor.u32 s4, s5;
	s0 =	sadd.s32 $0x18680, s0;
	v10 =	vmul.f32 v10, v9;
	v21 =	vld [tilespmem:s1+$0x11180]  }
0xcb: {  	v9 =	vand.u32 $0x7FFFFFFF, v11;
	s20 =	sor.u32 s6, s0;
	s8 =	sor.u32 $0x10, s4;
	v22 =	vld [tilespmem:s9+$0x0]  }
0xcc: {  	s10 =	sor.u32 $0x20, s4;
	v12 =	vmul.f32 v9, v1;
	v1 =	vadd.f32 v10, v0;
	v10 =	vld [tilespmem:s20+$0x0];
	s11 =	sor.u32 s8, s5  }
0xcd: {  	s19 =	sor.u32 s10, s5;
	v23 =	vld [tilespmem:s11+$0x0]  }
0xce: {  	v13 =	vld [tilespmem:s19+$0x0]  }
0xcf: {  	v17 =	vld.idx.msk [tilespmem:v17+s3+$0x0], $0xffff  }
0xd0: {  	v6 =	vsub.f32 v14, v6;
	v18 =	vld.idx.msk [tilespmem:v18+s3+$0x0], $0xffff  }
0xd1: {  	v11 =	vand.u32 $0x7FFFFFFF, v7;
	v8 =	vld.idx.msk [tilespmem:v19+s3+$0x0], $0xffff  }
0xd2: {  	v11 =	vmul.f32 v11, v15;
	v6 =	vand.u32 $0x7FFFFFFF, v6;
	v7 =	vld.idx.msk [tilespmem:v20+s3+$0x0], $0xffff  }
0xd3: {  	p1 =	por !p1, !p1;
	v0 =	vmul.f32 v6, v16;
	v9 =	vld.idx.msk [tilespmem:v21+s3+$0x0], $0xffff  }
0xd4: {  	v3 =	vadd.f32 v12, v3;
	v6 =	vadd.f32 v11, v4;
	s2 =	simm.s32 $0x0;
	s20 =	sor.u32 s10, s0;
	s1 =	simm.s32 $0x80;
	v11 =	vld.idx.msk [tilespmem:v22+s3+$0x0], $0xffff  }
0xd5: {  	v5 =	vadd.f32 v0, v5;
	s29 =	sor.u32 s8, s0;
	s0 =	simm.s32 $0x186C0;
	s19 =	simm.s32 $0x40;
	v4 =	vld.idx.msk [tilespmem:v23+s3+$0x0], $0xffff;
	v14 =	vsub.f32 v17, v18  }
.LBB2_8:
0xd6: {  	s4 =	simm.s32 $0x1  }
0xd7: {  	s5 =	sand.u32 $0x40, s19;
	s2 =	sadd.s32 $0x4, s2;
	v0 =	vld.idx.msk [tilespmem:v13+s3+$0x0], $0xffff;
	s4 =	simm.s32 @!p1 $0x0  }
0xd8: {  	s6 =	sand.u32 $0x7F00, s1;
	p2 =	slt.u32 s2, $0x26C;
	v13 =	vand.u32 $0x7FFFFFFF, v14;
	s4 =	sshll.u32 s4, $0x6;
	v12 =	vld [tilespmem:s29+$0x0]  }
0xd9: {  	s6 =	sadd.s32 $0x11180, s6;
	s7 =	sor.u32 $0x30, s5;
	v10 =	vmul.f32 v13, v10;
	s4 =	sadd.s32 s4, s1;
	v14 =	vld [tilespmem:s20+$0x0]  }
0xda: {  	s9 =	sor.u32 s7, s6;
	v13 =	vld [tilespmem:s0+$0x0];
	s8 =	sadd.s32 $0x10, s4;
	s10 =	sadd.s32 $0x30, s4  }
0xdb: {  	s11 =	sor.u32 $0x10, s5;
	v9 =	vsub.f32 v11, v9;
	s20 =	sadd.s32 $0x20, s4;
	v1 =	vadd.f32 v10, v1;
	v15 =	vld [tilespmem:s9+$0x0];
	s9 =	sor.u32 $0x80, s10  }
0xdc: {  	v4 =	vsub.f32 v4, v8;
	s8 =	sor.u32 $0x80, s8;
	s10 =	sor.u32 $0x20, s5;
	s20 =	sor.u32 $0x80, s20;
	v10 =	vld [tilespmem:s9+$0x11180]  }
0xdd: {  	s4 =	sor.u32 $0x80, s4;
	s5 =	sor.u32 s5, s6;
	v9 =	vand.u32 $0x7FFFFFFF, v9;
	v0 =	vsub.f32 v0, v7;
	s9 =	sor.u32 s11, s6;
	v8 =	vld [tilespmem:s8+$0x11180]  }
0xde: {  	s6 =	sor.u32 s10, s6;
	v9 =	vmul.f32 v9, v2;
	v16 =	vand.u32 $0x7FFFFFFF, v4;
	v7 =	vld [tilespmem:s20+$0x11180]  }
0xdf: {  	v11 =	vmul.f32 v16, v12;
	v0 =	vand.u32 $0x7FFFFFFF, v0;
	v4 =	vld [tilespmem:s4+$0x11180];
	v2 =	vmov v13  }
0xe0: {  	v3 =	vadd.f32 v9, v3;
	v0 =	vmul.f32 v0, v14;
	v12 =	vld [tilespmem:s5+$0x0]  }
0xe1: {  	v6 =	vadd.f32 v11, v6;
	v14 =	vld [tilespmem:s9+$0x0]  }
0xe2: {  	v5 =	vadd.f32 v0, v5;
	v13 =	vld [tilespmem:s6+$0x0]  }
0xe3: {  	v0 =	vld.idx.msk [tilespmem:v15+s3+$0x0], $0xffff  }
0xe4: {  	v15 =	vld.idx.msk [tilespmem:v10+s3+$0x0], $0xffff  }
0xe5: {  	s4 =	sand.u32 $0x3F80, s19;
	v8 =	vld.idx.msk [tilespmem:v8+s3+$0x0], $0xffff  }
.Ltmp3:
0xe6: {  	s4 =	sadd.s32 $0x18680, s4;
	v7 =	vld.idx.msk [tilespmem:v7+s3+$0x0], $0xffff;
	(pc) =	sbr.rel @p2 .LBB2_8-.Ltmp3, $4  }
0xe7: {  	s29 =	sor.u32 s11, s4;
	s20 =	sor.u32 s10, s4;
	s4 =	sor.u32 s7, s4;
	v9 =	vld.idx.msk [tilespmem:v4+s3+$0x0], $0xffff  }
0xe8: {  	v10 =	vld [tilespmem:s4+$0x0]  }
0xe9: {  	s0 =	sadd.s32 $0x40, s0;
	v11 =	vld.idx.msk [tilespmem:v12+s3+$0x0], $0xffff  }
0xea: {  	p1 =	por !p1, !p1;
	s1 =	sadd.s32 $0x80, s1;
	s19 =	sadd.s32 $0x40, s19;
	v4 =	vld.idx.msk [tilespmem:v14+s3+$0x0], $0xffff;
	v14 =	vsub.f32 v0, v15  }
0xeb: {  	_ =	sdelay $0x3  }
0xec: {  	v13 =	vld.idx.msk [tilespmem:v13+s3+$0x0], $0xffff  }
0xed: {  	v15 =	vld [tilespmem:s29+$0x0]  }
0xee: {  	v16 =	vld [tilespmem:s20+$0x0];
	_ =	swait.ge [sflag:s24], $0x4E00;
	p1 =	por $0x0, $0x0  }
0xef: {  	s0 =	simm.s32 $0x1;
	s1 =	simm.s32 $0x0;
	[sflag:s24] =	ssyncset.done $0x0  }
0xf0: {  	s2 =	simm.s32 $0x15F80;
	s0 =	simm.s32 @!p1 $0x0;
	[sflag:s24] =	ssyncadd.s32 $0xFFFFB200  }
0xf1: {  	s4 =	sand.u32 $0x40, s1;
	s5 =	sand.u32 $0x7F00, s1;
	_ =	swait.ge [sflag:s24], $0x2700  }
0xf2: {  	s0 =	sshll.u32 s0, $0x6;
	s5 =	sadd.s32 $0xC380, s5;
	[sflag:s24] =	ssyncset.done $0x0  }
0xf3: {  	s6 =	sor.u32 $0x30, s4;
	s0 =	sadd.s32 $0x0, s0;
	[sflag:s24] =	ssyncadd.s32 $0xFFFFD900  }
0xf4: {  	s11 =	sor.u32 s6, s5;
	s7 =	sadd.s32 $0x30, s0;
	v0 =	vld [tilespmem:s2+$0x0]  }
0xf5: {  	s8 =	sadd.s32 $0x10, s0;
	s19 =	sor.u32 $0x80, s7;
	v17 =	vld [tilespmem:s11+$0x0]  }
0xf6: {  	s20 =	sadd.s32 $0x20, s0;
	s8 =	sor.u32 $0x80, s8;
	v18 =	vld [tilespmem:s19+$0xC380]  }
0xf7: {  	s7 =	sor.u32 $0x80, s20;
	v19 =	vld [tilespmem:s8+$0xC380]  }
0xf8: {  	s0 =	sor.u32 $0x80, s0;
	v20 =	vld [tilespmem:s7+$0xC380]  }
0xf9: {  	s10 =	sor.u32 $0x20, s4;
	s9 =	sor.u32 s4, s5;
	v21 =	vld [tilespmem:s0+$0xC380]  }
0xfa: {  	s1 =	sand.u32 $0x3F80, s1;
	v13 =	vsub.f32 v13, v7;
	v7 =	vand.u32 $0x7FFFFFFF, v14;
	s8 =	sor.u32 $0x10, s4;
	v22 =	vld [tilespmem:s9+$0x0];
	s19 =	sor.u32 s10, s5  }
0xfb: {  	s1 =	sadd.s32 $0x15F80, s1;
	v10 =	vmul.f32 v7, v10;
	s11 =	sor.u32 s8, s5;
	v12 =	vld [tilespmem:s19+$0x0]  }
0xfc: {  	s20 =	sor.u32 s6, s1;
	v23 =	vld [tilespmem:s11+$0x0]  }
0xfd: {  	v1 =	vadd.f32 v10, v1;
	v10 =	vld [tilespmem:s20+$0x0]  }
0xfe: {  	v9 =	vsub.f32 v11, v9;
	v4 =	vsub.f32 v4, v8;
	v17 =	vld.idx.msk [tilespmem:v17+s3+$0x0], $0xffff  }
0xff: {  	v11 =	vld.idx.msk [tilespmem:v18+s3+$0x0], $0xffff  }
0x100: {  	v9 =	vand.u32 $0x7FFFFFFF, v9;
	v4 =	vand.u32 $0x7FFFFFFF, v4;
	v8 =	vld.idx.msk [tilespmem:v19+s3+$0x0], $0xffff  }
0x101: {  	v2 =	vmul.f32 v9, v2;
	v14 =	vmul.f32 v4, v15;
	v4 =	vand.u32 $0x7FFFFFFF, v13;
	v7 =	vld.idx.msk [tilespmem:v20+s3+$0x0], $0xffff  }
0x102: {  	p1 =	por !p1, !p1;
	v13 =	vmul.f32 v4, v16;
	v9 =	vld.idx.msk [tilespmem:v21+s3+$0x0], $0xffff  }
0x103: {  	s2 =	simm.s32 $0x0;
	s0 =	simm.s32 $0x15FC0;
	s29 =	sor.u32 s8, s1;
	v4 =	vadd.f32 v2, v3;
	v2 =	vadd.f32 v14, v6;
	v6 =	vld.idx.msk [tilespmem:v22+s3+$0x0], $0xffff  }
0x104: {  	s19 =	simm.s32 $0x40;
	s20 =	sor.u32 s10, s1;
	s1 =	simm.s32 $0x80;
	v3 =	vadd.f32 v13, v5;
	v5 =	vld.idx.msk [tilespmem:v23+s3+$0x0], $0xffff;
	v11 =	vsub.f32 v17, v11  }
.LBB2_10:
0x105: {  	s4 =	simm.s32 $0x1  }
0x106: {  	s5 =	sand.u32 $0x40, s19;
	s2 =	sadd.s32 $0x4, s2;
	v12 =	vld.idx.msk [tilespmem:v12+s3+$0x0], $0xffff;
	s4 =	simm.s32 @!p1 $0x0  }
0x107: {  	s6 =	sand.u32 $0x7F00, s1;
	p2 =	slt.u32 s2, $0x26C;
	v11 =	vand.u32 $0x7FFFFFFF, v11;
	s4 =	sshll.u32 s4, $0x6;
	v13 =	vld [tilespmem:s29+$0x0]  }
0x108: {  	s6 =	sadd.s32 $0xC380, s6;
	s7 =	sor.u32 $0x30, s5;
	v10 =	vmul.f32 v11, v10;
	s4 =	sadd.s32 s4, s1;
	v14 =	vld [tilespmem:s20+$0x0]  }
0x109: {  	s9 =	sor.u32 s7, s6;
	v11 =	vld [tilespmem:s0+$0x0];
	s8 =	sadd.s32 $0x10, s4;
	s10 =	sadd.s32 $0x30, s4  }
0x10a: {  	s11 =	sor.u32 $0x10, s5;
	v6 =	vsub.f32 v6, v9;
	s20 =	sadd.s32 $0x20, s4;
	v1 =	vadd.f32 v10, v1;
	v15 =	vld [tilespmem:s9+$0x0];
	s9 =	sor.u32 $0x80, s10  }
0x10b: {  	v5 =	vsub.f32 v5, v8;
	s8 =	sor.u32 $0x80, s8;
	s10 =	sor.u32 $0x20, s5;
	s20 =	sor.u32 $0x80, s20;
	v9 =	vld [tilespmem:s9+$0xC380]  }
0x10c: {  	s4 =	sor.u32 $0x80, s4;
	s5 =	sor.u32 s5, s6;
	v6 =	vand.u32 $0x7FFFFFFF, v6;
	v7 =	vsub.f32 v12, v7;
	s9 =	sor.u32 s11, s6;
	v8 =	vld [tilespmem:s8+$0xC380]  }
0x10d: {  	s6 =	sor.u32 s10, s6;
	v6 =	vmul.f32 v6, v0;
	v16 =	vand.u32 $0x7FFFFFFF, v5;
	v10 =	vld [tilespmem:s20+$0xC380]  }
0x10e: {  	v12 =	vmul.f32 v16, v13;
	v7 =	vand.u32 $0x7FFFFFFF, v7;
	v5 =	vld [tilespmem:s4+$0xC380];
	v0 =	vmov v11  }
0x10f: {  	v4 =	vadd.f32 v6, v4;
	v6 =	vmul.f32 v7, v14;
	v11 =	vld [tilespmem:s5+$0x0]  }
0x110: {  	v2 =	vadd.f32 v12, v2;
	v13 =	vld [tilespmem:s9+$0x0]  }
0x111: {  	v3 =	vadd.f32 v6, v3;
	v12 =	vld [tilespmem:s6+$0x0]  }
0x112: {  	v14 =	vld.idx.msk [tilespmem:v15+s3+$0x0], $0xffff  }
0x113: {  	v15 =	vld.idx.msk [tilespmem:v9+s3+$0x0], $0xffff  }
0x114: {  	s4 =	sand.u32 $0x3F80, s19;
	v8 =	vld.idx.msk [tilespmem:v8+s3+$0x0], $0xffff  }
.Ltmp4:
0x115: {  	s4 =	sadd.s32 $0x15F80, s4;
	v7 =	vld.idx.msk [tilespmem:v10+s3+$0x0], $0xffff;
	(pc) =	sbr.rel @p2 .LBB2_10-.Ltmp4, $4  }
0x116: {  	s29 =	sor.u32 s11, s4;
	s20 =	sor.u32 s10, s4;
	s4 =	sor.u32 s7, s4;
	v9 =	vld.idx.msk [tilespmem:v5+s3+$0x0], $0xffff  }
0x117: {  	v10 =	vld [tilespmem:s4+$0x0]  }
0x118: {  	s0 =	sadd.s32 $0x40, s0;
	v6 =	vld.idx.msk [tilespmem:v11+s3+$0x0], $0xffff  }
0x119: {  	p1 =	por !p1, !p1;
	s1 =	sadd.s32 $0x80, s1;
	s19 =	sadd.s32 $0x40, s19;
	v11 =	vsub.f32 v14, v15;
	v5 =	vld.idx.msk [tilespmem:v13+s3+$0x0], $0xffff  }
0x11a: {  	_ =	sdelay $0x3  }
0x11b: {  	v12 =	vld.idx.msk [tilespmem:v12+s3+$0x0], $0xffff  }
0x11c: {  	v13 =	vld [tilespmem:s29+$0x0]  }
0x11d: {  	v14 =	vld [tilespmem:s20+$0x0];
	_ =	swait.ge [sflag:s28], $0x100  }
0x11e: {  	[sflag:s28] =	ssyncset.done $0x0  }
0x11f: {  	[sflag:s28] =	ssyncadd.s32 $0xFFFFFF00  }
0x120: {  	_ =	swait.ge [sflag:s28], $0x80  }
0x121: {  	[sflag:s28] =	ssyncset.done $0x0  }
0x122: {  	[sflag:s28] =	ssyncadd.s32 $0xFFFFFF80  }
0x123: {  	v15 =	vld [tilespmem:$0x1AD80]  }
0x124: {  	v16 =	vld [tilespmem:$0x1AE00]  }
0x125: {  	v17 =	vld [tilespmem:$0x1AD90]  }
0x126: {  	v18 =	vld [tilespmem:$0x1AE80]  }
0x127: {  	v19 =	vld [tilespmem:$0x1AE10]  }
0x128: {  	v20 =	vld [tilespmem:$0x1AE90]  }
0x129: {  	v21 =	vld [tilespmem:$0x1ADA0]  }
0x12a: {  	v22 =	vld [tilespmem:$0x1AE20]  }
0x12b: {  	v23 =	vld [tilespmem:$0x1ADB0]  }
0x12c: {  	v24 =	vld [tilespmem:$0x1AE30]  }
0x12d: {  	v25 =	vld [tilespmem:$0x1AEA0]  }
0x12e: {  	v26 =	vld [tilespmem:$0x1ADC0]  }
0x12f: {  	v27 =	vld [tilespmem:$0x1AEB0]  }
0x130: {  	v28 =	vld [tilespmem:$0x1AEC0]  }
0x131: {  	v29 =	vld [tilespmem:$0x1AE40]  }
0x132: {  	v30 =	vld [tilespmem:$0x1ADD0]  }
0x133: {  	v31 =	vld [tilespmem:$0x1AE50]  }
0x134: {  	v32 =	vld [tilespmem:$0x1ADE0]  }
0x135: {  	v33 =	vld [tilespmem:$0x1AE60]  }
0x136: {  	v39 =	vld [tilespmem:$0x1ADF0]  }
0x137: {  	v34 =	vld [tilespmem:$0x1AE70]  }
0x138: {  	v41 =	vld [tilespmem:$0x1AED0]  }
0x139: {  	v15 =	vld.idx.msk [tilespmem:v15+s3+$0x0], $0xffff  }
0x13a: {  	v16 =	vld.idx.msk [tilespmem:v16+s3+$0x0], $0xffff  }
0x13b: {  	v17 =	vld.idx.msk [tilespmem:v17+s3+$0x0], $0xffff  }
0x13c: {  	v19 =	vld.idx.msk [tilespmem:v19+s3+$0x0], $0xffff  }
0x13d: {  	v21 =	vld.idx.msk [tilespmem:v21+s3+$0x0], $0xffff  }
0x13e: {  	v22 =	vld.idx.msk [tilespmem:v22+s3+$0x0], $0xffff  }
0x13f: {  	v23 =	vld.idx.msk [tilespmem:v23+s3+$0x0], $0xffff;
	v15 =	vsub.f32 v15, v16  }
0x140: {  	v24 =	vld.idx.msk [tilespmem:v24+s3+$0x0], $0xffff  }
0x141: {  	v26 =	vld.idx.msk [tilespmem:v26+s3+$0x0], $0xffff;
	v17 =	vsub.f32 v17, v19;
	v15 =	vand.u32 $0x7FFFFFFF, v15  }
0x142: {  	v40 =	vld.idx.msk [tilespmem:v29+s3+$0x0], $0xffff;
	v15 =	vmul.f32 v15, v18  }
0x143: {  	v42 =	vld.idx.msk [tilespmem:v30+s3+$0x0], $0xffff;
	v21 =	vsub.f32 v21, v22;
	v17 =	vand.u32 $0x7FFFFFFF, v17  }
0x144: {  	v43 =	vld.idx.msk [tilespmem:v31+s3+$0x0], $0xffff;
	v17 =	vmul.f32 v17, v20;
	v15 =	vadd.f32 $0.0e+00, v15  }
0x145: {  	v44 =	vld.idx.msk [tilespmem:v32+s3+$0x0], $0xffff;
	v23 =	vsub.f32 v23, v24;
	v21 =	vand.u32 $0x7FFFFFFF, v21  }
0x146: {  	v46 =	vld.idx.msk [tilespmem:v33+s3+$0x0], $0xffff;
	v45 =	vmul.f32 v21, v25;
	v15 =	vadd.f32 v17, v15  }
0x147: {  	v48 =	vld.idx.msk [tilespmem:v34+s3+$0x0], $0xffff;
	v19 =	vsub.f32 v26, v40;
	v23 =	vand.u32 $0x7FFFFFFF, v23  }
0x148: {  	v16 =	vld.idx.msk [tilespmem:v39+s3+$0x0], $0xffff;
	v47 =	vmul.f32 v23, v27;
	v15 =	vadd.f32 v45, v15  }
0x149: {  	v49 =	vld [tilespmem:$0x1AEE0];
	v19 =	vand.u32 $0x7FFFFFFF, v19;
	v20 =	vsub.f32 v42, v43  }
0x14a: {  	v50 =	vmul.f32 v19, v28;
	v15 =	vadd.f32 v47, v15  }
0x14b: {  	v53 =	vld [tilespmem:$0x1AEF0];
	v52 =	vsub.f32 v44, v46;
	v51 =	vand.u32 $0x7FFFFFFF, v20  }
0x14c: {  	v54 =	vmul.f32 v51, v41;
	v15 =	vadd.f32 v50, v15  }
0x14d: {  	v55 =	vand.u32 $0x7FFFFFFF, v52;
	v16 =	vsub.f32 v16, v48  }
0x14e: {  	v6 =	vsub.f32 v6, v9;
	v57 =	vmul.f32 v55, v49;
	v56 =	vadd.f32 v54, v15  }
0x14f: {  	v5 =	vsub.f32 v5, v8;
	v58 =	vand.u32 $0x7FFFFFFF, v16  }
0x150: {  	v6 =	vand.u32 $0x7FFFFFFF, v6;
	v8 =	vmul.f32 v58, v53;
	v9 =	vadd.f32 v57, v56  }
0x151: {  	v0 =	vmul.f32 v6, v0  }
0x152: {  	v59 =	vsub.f32 v12, v7;
	v5 =	vand.u32 $0x7FFFFFFF, v5;
	v60 =	vadd.f32 v8, v9  }
0x153: {  	v5 =	vmul.f32 v5, v13;
	v0 =	vadd.f32 v0, v4  }
0x154: {  	v61 =	vand.u32 $0x7FFFFFFF, v59;
	v62 =	vpsel !p0, $0x0, v60  }
0x155: {  	v4 =	vmul.f32 v61, v14;
	v2 =	vadd.f32 v5, v2;
	v0 =	vadd.f32 v62, v0  }
0x156: {  	v63 =	vand.u32 $0x7FFFFFFF, v11  }
0x157: {  	v5 =	vmul.f32 v63, v10;
	v3 =	vadd.f32 v4, v3;
	v0 =	vadd.f32 v0, v2;
	_ =	sdelay $0x1  }
0x158: {  	v1 =	vadd.f32 v5, v1;
	v0 =	vadd.f32 v0, v3;
	_ =	sdelay $0x1  }
0x159: {  	s31 =	sadd.s32 $0x1, s31;
	v0 =	vadd.f32 v0, v1  }
0x15a: {  	p1 =	sne.s32 s31, s17  }
.Ltmp5:
0x15b: {  	s0 =	simm.s32 $0x1AF00;
	[tilespmem:$0x1AF00] =	vst v0;
	(pc) =	sbr.rel @p1 .LBB2_1-.Ltmp5, $4  }
0x15c: {  	[hbm4b:s16+s3] =	stream.linear.scatter [tilespmem:s0], [sflag:$0x5], $0x80, $0x38;
	[tilespmem:$0x1AF80] =	vst v63  }
0x15d: {  	_ =	swait.ge [sflag:s30], $0x80  }
0x15e: {  	[sflag:s30] =	ssyncset.done $0x0  }
0x15f: {  	[sflag:s30] =	ssyncadd.s32 $0xFFFFFF80  }
0x160: {  	_ =	sfence.sel $0x180000  }
0x161: {  	[bflag:$0x0] =	sbarrier.arrive $0xFFFF  }
0x162: {  	_ =	strace $0x90000047  }
0x163: {  	s0 =	stileid.u32;
	[bflag:$0x2] =	sbarrier.arrive $0xFFFF  }
0x164: {  	p0 =	sne.s32 s0, $0x0;
	s0 =	rddreg [dreg:$0x4]  }
0x165: {  	s0 =	sadd.s32 @!p0 $0x100000, s0  }
0x166: {  	[sflag:s0] =	ssyncadd.tile.s32 @!p0 $0x1;
	_ =	shalt  }
.Lfunc_end2:
_tile_overlayer_lowered:
.L_overlay_start_2:
0x167: {  	(tag) =	ssettag $0x2  }
0x168: {  	s0 =	rddreg [dreg:$0x0];
	s2 =	stileid.u32  }
0x169: {  	s1 =	rddreg [dreg:$0x1];
	p0 =	sne.s32 s2, $0x0  }
0x16a: {  	s3 =	rddreg [dreg:$0x2];
	[bflag:$0x3] =	sbarrier.arrive $0xFFFF;
	s2 =	simm.s32 @!p0 $0x1C05  }
0x16b: {  	[timem:s3], [sflag:s2] =	dma.local @!p0 [hbm:s0], s1  }
0x16c: {  	s0 =	simm.s32 @!p0 $0x5  }
0x16d: {  	_ =	swait.ge @!p0 [sflag:s0], s1  }
0x16e: {  	s1 =	ssub.s32 @!p0 $0x0, s1;
	[sflag:s0] =	ssyncset.done @!p0 $0x0  }
0x16f: {  	[sflag:s0] =	ssyncadd.s32 @!p0 s1  }
0x170: {  	[bflag:$0x3] =	sbarrier.arrive $0xFFFF  }
0x171: {  	_ =	shalt  }

</sc_bundles>
